<compile_context>
chip_gen: v7x
topology: tpu7x:2x2x1
jax: 0.10.2.dev20260603
libtpu: 0.0.44.dev20260713+nightly
codegen_flags: <defaults>
</compile_context>

<pallas_src>
import functools

import jax
import jax.numpy as jnp
from jax import lax
from jax.experimental import pallas as pl
from jax.experimental.pallas import tpu as pltpu
from jax.experimental.pallas import tpu_sc as plsc

P = 16
H = 512
W = 512
PH = H // P
PW = W // P
N = PH * PW
OUT = N + 1
B = 64
L = 16
NC = 2
NS = 16
ROWS_PER_SUB = H // NS
PROWS_PER_SUB = PH // NS
PER_SUB = PROWS_PER_SUB * PW
ROW_PAD = ((OUT + L - 1) // L) * L + L
CHUNKS = N // L
BLK = 4

_MESH = plsc.VectorSubcoreMesh(core_axis_name="c", subcore_axis_name="s",
                               num_cores=1)


def _body(mask_hbm, out_hbm, in_v, tmp_v, pooled_v, shared_pooled, all_v,
          row_v, sem_a, sem_b, sem_o):
    cid = lax.axis_index("c")
    sid = lax.axis_index("s")
    iota = lax.iota(jnp.int32, L)

    @pl.when(cid == 0)
    def _pool():
        half = ROWS_PER_SUB // 2
        cp0 = pltpu.async_copy(
            mask_hbm.at[0, pl.ds(sid * ROWS_PER_SUB, half), :],
            in_v.at[pl.ds(0, half)], sem_a)
        cp1 = pltpu.async_copy(
            mask_hbm.at[0, pl.ds(sid * ROWS_PER_SUB + half, half), :],
            in_v.at[pl.ds(half, half)], sem_b)

        def pr_body(pr, carry):
            @pl.when(pr == 0)
            def _w0():
                cp0.wait()

            @pl.when(pr == 1)
            def _w1():
                cp1.wait()

            iota_pw = iota * PW

            @plsc.parallel_loop(0, PW)
            def col_body(t):
                acc = in_v[pr * P, pl.ds(t * L, L)]
                for r in range(1, P):
                    acc = acc + in_v[pr * P + r, pl.ds(t * L, L)]
                plsc.store_scatter(tmp_v, [iota_pw + t], acc)

            for g in range(PW // L):
                def red_body(l, pg):
                    return pg + tmp_v[pl.ds(l * PW + g * L, L)]

                pg = lax.fori_loop(1, L, red_body, tmp_v[pl.ds(g * L, L)])
                pooled_v[pl.ds(pr * PW + g * L, L)] = pg
            return carry

        lax.fori_loop(0, PROWS_PER_SUB, pr_body, 0)

        pltpu.sync_copy(pooled_v,
                        shared_pooled.at[pl.ds(sid * PER_SUB, PER_SUB)])
        plsc.subcore_barrier()

        @pl.when(sid == 0)
        def _compact():
            pltpu.sync_copy(shared_pooled, all_v)
            zeros16 = jnp.zeros((L,), jnp.int32)
            plsc.store_scatter(row_v, [zeros16], zeros16, mask=iota == 0)

            def blk_body(blk, total):
                masks, scans, counts = [], [], []
                for k in range(BLK):
                    c = blk * BLK + k
                    v = all_v[pl.ds(c * L, L)]
                    m = v > 0.0
                    masks.append(m)
                    scans.append(plsc.cumsum(m.astype(jnp.int32)))
                    counts.append(plsc.all_reduce_population_count(m))
                for k in range(BLK):
                    c = blk * BLK + k
                    plsc.store_scatter(row_v, [total + scans[k]],
                                       iota + c * L + 1, mask=masks[k])
                    total = total + counts[k]
                return total

            total = lax.fori_loop(0, CHUNKS // BLK, blk_body, zeros16)
            ones16 = jnp.full((L,), 1, jnp.int32)
            plsc.store_scatter(row_v, [total + 1 + iota], ones16)
            t0 = lax.div(total[0], jnp.int32(L)) + 1

            @plsc.parallel_loop(t0, ROW_PAD // L)
            def fill_body(t):
                row_v[pl.ds(t * L, L)] = ones16
            pltpu.async_copy(row_v.at[pl.ds(0, OUT)], out_hbm, sem_o).wait()


_sc_call = functools.partial(
    pl.kernel,
    out_type=jax.ShapeDtypeStruct((OUT,), jnp.int32),
    mesh=_MESH,
    scratch_types=[
        pltpu.VMEM((ROWS_PER_SUB, W), jnp.float32),
        pltpu.VMEM((W,), jnp.float32),
        pltpu.VMEM((PER_SUB,), jnp.float32),
        pltpu.VMEM_SHARED((NS * PER_SUB,), jnp.float32),
        pltpu.VMEM((NS * PER_SUB,), jnp.float32),
        pltpu.VMEM((ROW_PAD,), jnp.int32),
        pltpu.SemaphoreType.DMA,
        pltpu.SemaphoreType.DMA,
        pltpu.SemaphoreType.DMA,
    ],
    compiler_params=pltpu.CompilerParams(
        needs_layout_passes=False,
        use_tc_tiling_on_sc=True,
    ),
)(_body)


def kernel(ones_mask):
    row = _sc_call(ones_mask)
    return jnp.broadcast_to(row[None], (B, OUT))

# --- scband reference (transcript-rebuilt; emitter-appended) ---
"""Pipeline reference for scband-mask-processor-42021960024364 (READ-ONLY COPY).

The authoritative reference and input builder live on the scoring server;
editing this copy changes nothing except your own understanding.
"""

import jax, jax.numpy as jnp
import numpy as np

PATCH = 16

def _avg_pool2d(x, p=PATCH):
    # x: [..., H, W] -> [..., H//p, W//p] via non-overlapping mean pooling
    H, W = x.shape[-2], x.shape[-1]
    x = x.reshape(x.shape[:-2] + (H // p, p, W // p, p))
    return x.mean(axis=(-3, -1))

def setup_inputs() -> dict:
    # ones_mask: float32 [B, H, W] binary visibility mask (all ones here -> deterministic output shape)
    ones_mask = jnp.ones((64, 512, 512), dtype=jnp.float32)
    return {"ones_mask": ones_mask}

def reference(ones_mask):
    # Faithful translation of MaskProcessor.forward
    B = ones_mask.shape[0]
    m = ones_mask[0][None]            # take first batch element, unsqueeze(0) -> [1, H, W]
    m = _avg_pool2d(m)[0]             # AvgPool2d(patch_size) -> [H/p, W/p]
    flat = m.reshape(-1)
    N = flat.shape[0]                 # static: (H//p) * (W//p); mask is all ones so all N patches are nonzero
    idx = jnp.nonzero(flat > 0, size=N)[0].astype(jnp.int32) + 1   # nonzero patch indices, 1-based
    idx = jnp.concatenate([jnp.zeros((1,), dtype=jnp.int32), idx])[None]  # prepend CLS index 0
    out = jnp.broadcast_to(idx, (B, idx.shape[1]))  # expand(B, -1)
    return out

if __name__ == "__main__":
    import jax
    _d = setup_inputs()
    print(jax.jit(kernel)(*tuple(_d.values())))

</pallas_src>

<mosaic_0001>
#map = affine_map<(d0, d1) -> (0, 0, 0)>
#map1 = affine_map<(d0, d1) -> (0)>
module attributes {stable_mosaic.version = 14 : i64} {
  func.func @_body(%arg0: i32, %arg1: i32, %arg2: memref<64x512x512xf32, #tpu.memory_space<hbm>>, %arg3: memref<1025xi32, #tpu.memory_space<hbm>>, %arg4: memref<32x512xf32, #tpu.memory_space<vmem>>, %arg5: memref<512xf32, #tpu.memory_space<vmem>>, %arg6: memref<64xf32, #tpu.memory_space<vmem>>, %arg7: memref<1024xf32, #tpu.memory_space<vmem_shared>>, %arg8: memref<1024xf32, #tpu.memory_space<vmem>>, %arg9: memref<1056xi32, #tpu.memory_space<vmem>>, %arg10: memref<!tpu.dma_semaphore, #tpu.memory_space<semaphore_mem>>, %arg11: memref<!tpu.dma_semaphore, #tpu.memory_space<semaphore_mem>>, %arg12: memref<!tpu.dma_semaphore, #tpu.memory_space<semaphore_mem>>) attributes {dimension_semantics = [#tpu.dimension_semantics<core_parallel>, #tpu.dimension_semantics<subcore_parallel>], iteration_bounds = array<i64: 1, 16>, scalar_prefetch = 0 : i64, scratch_operands = 9 : i64, tpu.core_type = #tpu.core_type<sc_vector_subcore>, window_params = [{transform_indices = #map}, {transform_indices = #map1}]} {
    %iota3A = tpu.iota {dimensions = array<i32: 0>} : vector<16xi32>
    %eq3A = arith.constant 0 : i32
    %eq3A_0 = arith.cmpi eq, %arg0, %eq3A : i32
    %convert_element_type3A = arith.extui %eq3A_0 : i1 to i32
    %cond3A = arith.constant 0 : i32
    %cond3A_1 = arith.cmpi ne, %convert_element_type3A, %cond3A : i32
    scf.if %cond3A_1 {
      %mul3A = arith.constant 32 : i32
      %mul3A_2 = arith.muli %arg1, %mul3A : i32
      %dma_start3A = arith.constant 0 : i32
      %dma_start3A_3 = arith.constant 0 : i32
      %dma_start3A_4 = arith.constant 0 : i32
      %dma_start3A_5 = tpu.memref_slice %arg4[%dma_start3A_3, %dma_start3A_4] : memref<32x512xf32, #tpu.memory_space<vmem>> -> memref<16x512xf32, #tpu.memory_space<vmem>>
      %dma_start3A_6 = arith.constant 0 : i32
      %dma_start3A_7 = tpu.memref_slice %arg2[%dma_start3A, %mul3A_2, %dma_start3A_6] : memref<64x512x512xf32, #tpu.memory_space<hbm>> -> memref<1x16x512xf32, #tpu.memory_space<hbm>>
      %dma_start3A_8 = tpu.memref_squeeze %dma_start3A_7 : memref<1x16x512xf32, #tpu.memory_space<hbm>> -> memref<16x512xf32, #tpu.memory_space<hbm>>
      %dma_start3A_9 = arith.constant 0 : i32
      %dma_start3A_10 = arith.constant 0 : i32
      %dma_start3A_11 = tpu.memref_slice %arg4[%dma_start3A_9, %dma_start3A_10] : memref<32x512xf32, #tpu.memory_space<vmem>> -> memref<16x512xf32, #tpu.memory_space<vmem>>
      %dma_start3A_12 = arith.constant 0 : i32
      %dma_start3A_13 = tpu.memref_slice %arg2[%dma_start3A, %mul3A_2, %dma_start3A_12] : memref<64x512x512xf32, #tpu.memory_space<hbm>> -> memref<1x16x512xf32, #tpu.memory_space<hbm>>
      %dma_start3A_14 = tpu.memref_squeeze %dma_start3A_13 : memref<1x16x512xf32, #tpu.memory_space<hbm>> -> memref<16x512xf32, #tpu.memory_space<hbm>>
      tpu.enqueue_dma source(%dma_start3A_14 : memref<16x512xf32, #tpu.memory_space<hbm>>) target(%dma_start3A_11 : memref<16x512xf32, #tpu.memory_space<vmem>>) target_semaphore(%arg10 : memref<!tpu.dma_semaphore, #tpu.memory_space<semaphore_mem>>)
      %mul3A_15 = arith.constant 32 : i32
      %mul3A_16 = arith.muli %arg1, %mul3A_15 : i32
      %add3A = arith.constant 16 : i32
      %add3A_17 = arith.addi %mul3A_16, %add3A : i32
      %dma_start3A_18 = arith.constant 0 : i32
      %dma_start3A_19 = arith.constant 16 : i32
      %dma_start3A_20 = arith.constant 0 : i32
      %dma_start3A_21 = tpu.memref_slice %arg4[%dma_start3A_19, %dma_start3A_20] : memref<32x512xf32, #tpu.memory_space<vmem>> -> memref<16x512xf32, #tpu.memory_space<vmem>>
      %dma_start3A_22 = arith.constant 0 : i32
      %dma_start3A_23 = tpu.memref_slice %arg2[%dma_start3A_18, %add3A_17, %dma_start3A_22] : memref<64x512x512xf32, #tpu.memory_space<hbm>> -> memref<1x16x512xf32, #tpu.memory_space<hbm>>
      %dma_start3A_24 = tpu.memref_squeeze %dma_start3A_23 : memref<1x16x512xf32, #tpu.memory_space<hbm>> -> memref<16x512xf32, #tpu.memory_space<hbm>>
      %dma_start3A_25 = arith.constant 16 : i32
      %dma_start3A_26 = arith.constant 0 : i32
      %dma_start3A_27 = tpu.memref_slice %arg4[%dma_start3A_25, %dma_start3A_26] : memref<32x512xf32, #tpu.memory_space<vmem>> -> memref<16x512xf32, #tpu.memory_space<vmem>>
      %dma_start3A_28 = arith.constant 0 : i32
      %dma_start3A_29 = tpu.memref_slice %arg2[%dma_start3A_18, %add3A_17, %dma_start3A_28] : memref<64x512x512xf32, #tpu.memory_space<hbm>> -> memref<1x16x512xf32, #tpu.memory_space<hbm>>
      %dma_start3A_30 = tpu.memref_squeeze %dma_start3A_29 : memref<1x16x512xf32, #tpu.memory_space<hbm>> -> memref<16x512xf32, #tpu.memory_space<hbm>>
      tpu.enqueue_dma source(%dma_start3A_30 : memref<16x512xf32, #tpu.memory_space<hbm>>) target(%dma_start3A_27 : memref<16x512xf32, #tpu.memory_space<vmem>>) target_semaphore(%arg11 : memref<!tpu.dma_semaphore, #tpu.memory_space<semaphore_mem>>)
      %scan3A = arith.constant 0 : i32
      %scan3A_31 = arith.constant 0 : i32
      %scan3A_32 = arith.constant 0 : i32
      %scan3A_33 = arith.constant 0 : i32
      %scan3A_34 = arith.constant 2 : i32
      %scan3A_35 = arith.addi %scan3A_33, %scan3A_34 : i32
      %scan3A_36 = arith.constant 1 : i32
      scf.for %scan3A_45 = %scan3A_33 to %scan3A_35 step %scan3A_36  : i32 {
        %eq3A_46 = arith.constant 0 : i32
        %eq3A_47 = arith.cmpi eq, %scan3A_45, %eq3A_46 : i32
        %convert_element_type3A_48 = arith.extui %eq3A_47 : i1 to i32
        %cond3A_49 = arith.constant 0 : i32
        %cond3A_50 = arith.cmpi ne, %convert_element_type3A_48, %cond3A_49 : i32
        scf.if %cond3A_50 {
          %dma_wait3A = arith.constant 0 : i32
          %dma_wait3A_87 = arith.constant 0 : i32
          %dma_wait3A_88 = tpu.memref_slice %arg4[%dma_wait3A, %dma_wait3A_87] : memref<32x512xf32, #tpu.memory_space<vmem>> -> memref<16x512xf32, #tpu.memory_space<vmem>>
          %dma_wait3A_89 = arith.constant 0 : i32
          %dma_wait3A_90 = tpu.memref_slice %arg2[%scan3A_31, %mul3A_2, %dma_wait3A_89] : memref<64x512x512xf32, #tpu.memory_space<hbm>> -> memref<1x16x512xf32, #tpu.memory_space<hbm>>
          %dma_wait3A_91 = tpu.memref_squeeze %dma_wait3A_90 : memref<1x16x512xf32, #tpu.memory_space<hbm>> -> memref<16x512xf32, #tpu.memory_space<hbm>>
          %dma_wait3A_92 = arith.constant 0 : i32
          %dma_wait3A_93 = arith.constant 0 : i32
          %dma_wait3A_94 = tpu.memref_slice %arg4[%dma_wait3A_92, %dma_wait3A_93] : memref<32x512xf32, #tpu.memory_space<vmem>> -> memref<16x512xf32, #tpu.memory_space<vmem>>
          %dma_wait3A_95 = arith.constant 0 : i32
          %dma_wait3A_96 = tpu.memref_slice %arg2[%scan3A_31, %mul3A_2, %dma_wait3A_95] : memref<64x512x512xf32, #tpu.memory_space<hbm>> -> memref<1x16x512xf32, #tpu.memory_space<hbm>>
          %dma_wait3A_97 = tpu.memref_squeeze %dma_wait3A_96 : memref<1x16x512xf32, #tpu.memory_space<hbm>> -> memref<16x512xf32, #tpu.memory_space<hbm>>
          tpu.wait_dma2 semaphore(%arg10 : memref<!tpu.dma_semaphore, #tpu.memory_space<semaphore_mem>>) src(%dma_wait3A_97 : memref<16x512xf32, #tpu.memory_space<hbm>>) dst(%dma_wait3A_94 : memref<16x512xf32, #tpu.memory_space<vmem>>)
        } else {
        }
        %eq3A_51 = arith.constant 1 : i32
        %eq3A_52 = arith.cmpi eq, %scan3A_45, %eq3A_51 : i32
        %convert_element_type3A_53 = arith.extui %eq3A_52 : i1 to i32
        %cond3A_54 = arith.constant 0 : i32
        %cond3A_55 = arith.cmpi ne, %convert_element_type3A_53, %cond3A_54 : i32
        scf.if %cond3A_55 {
          %dma_wait3A = arith.constant 16 : i32
          %dma_wait3A_87 = arith.constant 0 : i32
          %dma_wait3A_88 = tpu.memref_slice %arg4[%dma_wait3A, %dma_wait3A_87] : memref<32x512xf32, #tpu.memory_space<vmem>> -> memref<16x512xf32, #tpu.memory_space<vmem>>
          %dma_wait3A_89 = arith.constant 0 : i32
          %dma_wait3A_90 = tpu.memref_slice %arg2[%scan3A_32, %add3A_17, %dma_wait3A_89] : memref<64x512x512xf32, #tpu.memory_space<hbm>> -> memref<1x16x512xf32, #tpu.memory_space<hbm>>
          %dma_wait3A_91 = tpu.memref_squeeze %dma_wait3A_90 : memref<1x16x512xf32, #tpu.memory_space<hbm>> -> memref<16x512xf32, #tpu.memory_space<hbm>>
          %dma_wait3A_92 = arith.constant 16 : i32
          %dma_wait3A_93 = arith.constant 0 : i32
          %dma_wait3A_94 = tpu.memref_slice %arg4[%dma_wait3A_92, %dma_wait3A_93] : memref<32x512xf32, #tpu.memory_space<vmem>> -> memref<16x512xf32, #tpu.memory_space<vmem>>
          %dma_wait3A_95 = arith.constant 0 : i32
          %dma_wait3A_96 = tpu.memref_slice %arg2[%scan3A_32, %add3A_17, %dma_wait3A_95] : memref<64x512x512xf32, #tpu.memory_space<hbm>> -> memref<1x16x512xf32, #tpu.memory_space<hbm>>
          %dma_wait3A_97 = tpu.memref_squeeze %dma_wait3A_96 : memref<1x16x512xf32, #tpu.memory_space<hbm>> -> memref<16x512xf32, #tpu.memory_space<hbm>>
          tpu.wait_dma2 semaphore(%arg11 : memref<!tpu.dma_semaphore, #tpu.memory_space<semaphore_mem>>) src(%dma_wait3A_97 : memref<16x512xf32, #tpu.memory_space<hbm>>) dst(%dma_wait3A_94 : memref<16x512xf32, #tpu.memory_space<vmem>>)
        } else {
        }
        %mul3A_56 = arith.constant 32 : i32
        %mul3A_57 = vector.broadcast %mul3A_56 : i32 to vector<16xi32>
        %mul3A_58 = arith.muli %iota3A, %mul3A_57 : vector<16xi32>
        %parallel_loop3A = arith.constant 0 : i32
        %parallel_loop3A_59 = arith.constant 32 : i32
        %parallel_loop3A_60 = arith.constant 1 : i32
        scf.for %parallel_loop3A_87 = %parallel_loop3A to %parallel_loop3A_59 step %parallel_loop3A_60  : i32 {
          %parallel_loop3A_88 = arith.constant 16 : i32
          %parallel_loop3A_89 = arith.muli %scan3A_45, %parallel_loop3A_88 : i32
          %parallel_loop3A_90 = arith.constant 16 : i32
          %parallel_loop3A_91 = arith.muli %parallel_loop3A_87, %parallel_loop3A_90 : i32
          %parallel_loop3A_92 = arith.index_cast %parallel_loop3A_89 : i32 to index
          %parallel_loop3A_93 = arith.index_cast %parallel_loop3A_91 : i32 to index
          %parallel_loop3A_94 = tpu.vector_load %arg4[%parallel_loop3A_92, %parallel_loop3A_93] {strides = array<i32>} : memref<32x512xf32, #tpu.memory_space<vmem>>, vector<16xf32>,
          %parallel_loop3A_95 = arith.constant 16 : i32
          %parallel_loop3A_96 = arith.muli %scan3A_45, %parallel_loop3A_95 : i32
          %parallel_loop3A_97 = arith.constant 1 : i32
          %parallel_loop3A_98 = arith.addi %parallel_loop3A_96, %parallel_loop3A_97 : i32
          %parallel_loop3A_99 = arith.constant 16 : i32
          %parallel_loop3A_100 = arith.muli %parallel_loop3A_87, %parallel_loop3A_99 : i32
          %parallel_loop3A_101 = arith.index_cast %parallel_loop3A_98 : i32 to index
          %parallel_loop3A_102 = arith.index_cast %parallel_loop3A_100 : i32 to index
          %parallel_loop3A_103 = tpu.vector_load %arg4[%parallel_loop3A_101, %parallel_loop3A_102] {strides = array<i32>} : memref<32x512xf32, #tpu.memory_space<vmem>>, vector<16xf32>,
          %parallel_loop3A_104 = arith.addf %parallel_loop3A_94, %parallel_loop3A_103 : vector<16xf32>
          %parallel_loop3A_105 = arith.constant 16 : i32
          %parallel_loop3A_106 = arith.muli %scan3A_45, %parallel_loop3A_105 : i32
          %parallel_loop3A_107 = arith.constant 2 : i32
          %parallel_loop3A_108 = arith.addi %parallel_loop3A_106, %parallel_loop3A_107 : i32
          %parallel_loop3A_109 = arith.constant 16 : i32
          %parallel_loop3A_110 = arith.muli %parallel_loop3A_87, %parallel_loop3A_109 : i32
          %parallel_loop3A_111 = arith.index_cast %parallel_loop3A_108 : i32 to index
          %parallel_loop3A_112 = arith.index_cast %parallel_loop3A_110 : i32 to index
          %parallel_loop3A_113 = tpu.vector_load %arg4[%parallel_loop3A_111, %parallel_loop3A_112] {strides = array<i32>} : memref<32x512xf32, #tpu.memory_space<vmem>>, vector<16xf32>,
          %parallel_loop3A_114 = arith.addf %parallel_loop3A_104, %parallel_loop3A_113 : vector<16xf32>
          %parallel_loop3A_115 = arith.constant 16 : i32
          %parallel_loop3A_116 = arith.muli %scan3A_45, %parallel_loop3A_115 : i32
          %parallel_loop3A_117 = arith.constant 3 : i32
          %parallel_loop3A_118 = arith.addi %parallel_loop3A_116, %parallel_loop3A_117 : i32
          %parallel_loop3A_119 = arith.constant 16 : i32
          %parallel_loop3A_120 = arith.muli %parallel_loop3A_87, %parallel_loop3A_119 : i32
          %parallel_loop3A_121 = arith.index_cast %parallel_loop3A_118 : i32 to index
          %parallel_loop3A_122 = arith.index_cast %parallel_loop3A_120 : i32 to index
          %parallel_loop3A_123 = tpu.vector_load %arg4[%parallel_loop3A_121, %parallel_loop3A_122] {strides = array<i32>} : memref<32x512xf32, #tpu.memory_space<vmem>>, vector<16xf32>,
          %parallel_loop3A_124 = arith.addf %parallel_loop3A_114, %parallel_loop3A_123 : vector<16xf32>
          %parallel_loop3A_125 = arith.constant 16 : i32
          %parallel_loop3A_126 = arith.muli %scan3A_45, %parallel_loop3A_125 : i32
          %parallel_loop3A_127 = arith.constant 4 : i32
          %parallel_loop3A_128 = arith.addi %parallel_loop3A_126, %parallel_loop3A_127 : i32
          %parallel_loop3A_129 = arith.constant 16 : i32
          %parallel_loop3A_130 = arith.muli %parallel_loop3A_87, %parallel_loop3A_129 : i32
          %parallel_loop3A_131 = arith.index_cast %parallel_loop3A_128 : i32 to index
          %parallel_loop3A_132 = arith.index_cast %parallel_loop3A_130 : i32 to index
          %parallel_loop3A_133 = tpu.vector_load %arg4[%parallel_loop3A_131, %parallel_loop3A_132] {strides = array<i32>} : memref<32x512xf32, #tpu.memory_space<vmem>>, vector<16xf32>,
          %parallel_loop3A_134 = arith.addf %parallel_loop3A_124, %parallel_loop3A_133 : vector<16xf32>
          %parallel_loop3A_135 = arith.constant 16 : i32
          %parallel_loop3A_136 = arith.muli %scan3A_45, %parallel_loop3A_135 : i32
          %parallel_loop3A_137 = arith.constant 5 : i32
          %parallel_loop3A_138 = arith.addi %parallel_loop3A_136, %parallel_loop3A_137 : i32
          %parallel_loop3A_139 = arith.constant 16 : i32
          %parallel_loop3A_140 = arith.muli %parallel_loop3A_87, %parallel_loop3A_139 : i32
          %parallel_loop3A_141 = arith.index_cast %parallel_loop3A_138 : i32 to index
          %parallel_loop3A_142 = arith.index_cast %parallel_loop3A_140 : i32 to index
          %parallel_loop3A_143 = tpu.vector_load %arg4[%parallel_loop3A_141, %parallel_loop3A_142] {strides = array<i32>} : memref<32x512xf32, #tpu.memory_space<vmem>>, vector<16xf32>,
          %parallel_loop3A_144 = arith.addf %parallel_loop3A_134, %parallel_loop3A_143 : vector<16xf32>
          %parallel_loop3A_145 = arith.constant 16 : i32
          %parallel_loop3A_146 = arith.muli %scan3A_45, %parallel_loop3A_145 : i32
          %parallel_loop3A_147 = arith.constant 6 : i32
          %parallel_loop3A_148 = arith.addi %parallel_loop3A_146, %parallel_loop3A_147 : i32
          %parallel_loop3A_149 = arith.constant 16 : i32
          %parallel_loop3A_150 = arith.muli %parallel_loop3A_87, %parallel_loop3A_149 : i32
          %parallel_loop3A_151 = arith.index_cast %parallel_loop3A_148 : i32 to index
          %parallel_loop3A_152 = arith.index_cast %parallel_loop3A_150 : i32 to index
          %parallel_loop3A_153 = tpu.vector_load %arg4[%parallel_loop3A_151, %parallel_loop3A_152] {strides = array<i32>} : memref<32x512xf32, #tpu.memory_space<vmem>>, vector<16xf32>,
          %parallel_loop3A_154 = arith.addf %parallel_loop3A_144, %parallel_loop3A_153 : vector<16xf32>
          %parallel_loop3A_155 = arith.constant 16 : i32
          %parallel_loop3A_156 = arith.muli %scan3A_45, %parallel_loop3A_155 : i32
          %parallel_loop3A_157 = arith.constant 7 : i32
          %parallel_loop3A_158 = arith.addi %parallel_loop3A_156, %parallel_loop3A_157 : i32
          %parallel_loop3A_159 = arith.constant 16 : i32
          %parallel_loop3A_160 = arith.muli %parallel_loop3A_87, %parallel_loop3A_159 : i32
          %parallel_loop3A_161 = arith.index_cast %parallel_loop3A_158 : i32 to index
          %parallel_loop3A_162 = arith.index_cast %parallel_loop3A_160 : i32 to index
          %parallel_loop3A_163 = tpu.vector_load %arg4[%parallel_loop3A_161, %parallel_loop3A_162] {strides = array<i32>} : memref<32x512xf32, #tpu.memory_space<vmem>>, vector<16xf32>,
          %parallel_loop3A_164 = arith.addf %parallel_loop3A_154, %parallel_loop3A_163 : vector<16xf32>
          %parallel_loop3A_165 = arith.constant 16 : i32
          %parallel_loop3A_166 = arith.muli %scan3A_45, %parallel_loop3A_165 : i32
          %parallel_loop3A_167 = arith.constant 8 : i32
          %parallel_loop3A_168 = arith.addi %parallel_loop3A_166, %parallel_loop3A_167 : i32
          %parallel_loop3A_169 = arith.constant 16 : i32
          %parallel_loop3A_170 = arith.muli %parallel_loop3A_87, %parallel_loop3A_169 : i32
          %parallel_loop3A_171 = arith.index_cast %parallel_loop3A_168 : i32 to index
          %parallel_loop3A_172 = arith.index_cast %parallel_loop3A_170 : i32 to index
          %parallel_loop3A_173 = tpu.vector_load %arg4[%parallel_loop3A_171, %parallel_loop3A_172] {strides = array<i32>} : memref<32x512xf32, #tpu.memory_space<vmem>>, vector<16xf32>,
          %parallel_loop3A_174 = arith.addf %parallel_loop3A_164, %parallel_loop3A_173 : vector<16xf32>
          %parallel_loop3A_175 = arith.constant 16 : i32
          %parallel_loop3A_176 = arith.muli %scan3A_45, %parallel_loop3A_175 : i32
          %parallel_loop3A_177 = arith.constant 9 : i32
          %parallel_loop3A_178 = arith.addi %parallel_loop3A_176, %parallel_loop3A_177 : i32
          %parallel_loop3A_179 = arith.constant 16 : i32
          %parallel_loop3A_180 = arith.muli %parallel_loop3A_87, %parallel_loop3A_179 : i32
          %parallel_loop3A_181 = arith.index_cast %parallel_loop3A_178 : i32 to index
          %parallel_loop3A_182 = arith.index_cast %parallel_loop3A_180 : i32 to index
          %parallel_loop3A_183 = tpu.vector_load %arg4[%parallel_loop3A_181, %parallel_loop3A_182] {strides = array<i32>} : memref<32x512xf32, #tpu.memory_space<vmem>>, vector<16xf32>,
          %parallel_loop3A_184 = arith.addf %parallel_loop3A_174, %parallel_loop3A_183 : vector<16xf32>
          %parallel_loop3A_185 = arith.constant 16 : i32
          %parallel_loop3A_186 = arith.muli %scan3A_45, %parallel_loop3A_185 : i32
          %parallel_loop3A_187 = arith.constant 10 : i32
          %parallel_loop3A_188 = arith.addi %parallel_loop3A_186, %parallel_loop3A_187 : i32
          %parallel_loop3A_189 = arith.constant 16 : i32
          %parallel_loop3A_190 = arith.muli %parallel_loop3A_87, %parallel_loop3A_189 : i32
          %parallel_loop3A_191 = arith.index_cast %parallel_loop3A_188 : i32 to index
          %parallel_loop3A_192 = arith.index_cast %parallel_loop3A_190 : i32 to index
          %parallel_loop3A_193 = tpu.vector_load %arg4[%parallel_loop3A_191, %parallel_loop3A_192] {strides = array<i32>} : memref<32x512xf32, #tpu.memory_space<vmem>>, vector<16xf32>,
          %parallel_loop3A_194 = arith.addf %parallel_loop3A_184, %parallel_loop3A_193 : vector<16xf32>
          %parallel_loop3A_195 = arith.constant 16 : i32
          %parallel_loop3A_196 = arith.muli %scan3A_45, %parallel_loop3A_195 : i32
          %parallel_loop3A_197 = arith.constant 11 : i32
          %parallel_loop3A_198 = arith.addi %parallel_loop3A_196, %parallel_loop3A_197 : i32
          %parallel_loop3A_199 = arith.constant 16 : i32
          %parallel_loop3A_200 = arith.muli %parallel_loop3A_87, %parallel_loop3A_199 : i32
          %parallel_loop3A_201 = arith.index_cast %parallel_loop3A_198 : i32 to index
          %parallel_loop3A_202 = arith.index_cast %parallel_loop3A_200 : i32 to index
          %parallel_loop3A_203 = tpu.vector_load %arg4[%parallel_loop3A_201, %parallel_loop3A_202] {strides = array<i32>} : memref<32x512xf32, #tpu.memory_space<vmem>>, vector<16xf32>,
          %parallel_loop3A_204 = arith.addf %parallel_loop3A_194, %parallel_loop3A_203 : vector<16xf32>
          %parallel_loop3A_205 = arith.constant 16 : i32
          %parallel_loop3A_206 = arith.muli %scan3A_45, %parallel_loop3A_205 : i32
          %parallel_loop3A_207 = arith.constant 12 : i32
          %parallel_loop3A_208 = arith.addi %parallel_loop3A_206, %parallel_loop3A_207 : i32
          %parallel_loop3A_209 = arith.constant 16 : i32
          %parallel_loop3A_210 = arith.muli %parallel_loop3A_87, %parallel_loop3A_209 : i32
          %parallel_loop3A_211 = arith.index_cast %parallel_loop3A_208 : i32 to index
          %parallel_loop3A_212 = arith.index_cast %parallel_loop3A_210 : i32 to index
          %parallel_loop3A_213 = tpu.vector_load %arg4[%parallel_loop3A_211, %parallel_loop3A_212] {strides = array<i32>} : memref<32x512xf32, #tpu.memory_space<vmem>>, vector<16xf32>,
          %parallel_loop3A_214 = arith.addf %parallel_loop3A_204, %parallel_loop3A_213 : vector<16xf32>
          %parallel_loop3A_215 = arith.constant 16 : i32
          %parallel_loop3A_216 = arith.muli %scan3A_45, %parallel_loop3A_215 : i32
          %parallel_loop3A_217 = arith.constant 13 : i32
          %parallel_loop3A_218 = arith.addi %parallel_loop3A_216, %parallel_loop3A_217 : i32
          %parallel_loop3A_219 = arith.constant 16 : i32
          %parallel_loop3A_220 = arith.muli %parallel_loop3A_87, %parallel_loop3A_219 : i32
          %parallel_loop3A_221 = arith.index_cast %parallel_loop3A_218 : i32 to index
          %parallel_loop3A_222 = arith.index_cast %parallel_loop3A_220 : i32 to index
          %parallel_loop3A_223 = tpu.vector_load %arg4[%parallel_loop3A_221, %parallel_loop3A_222] {strides = array<i32>} : memref<32x512xf32, #tpu.memory_space<vmem>>, vector<16xf32>,
          %parallel_loop3A_224 = arith.addf %parallel_loop3A_214, %parallel_loop3A_223 : vector<16xf32>
          %parallel_loop3A_225 = arith.constant 16 : i32
          %parallel_loop3A_226 = arith.muli %scan3A_45, %parallel_loop3A_225 : i32
          %parallel_loop3A_227 = arith.constant 14 : i32
          %parallel_loop3A_228 = arith.addi %parallel_loop3A_226, %parallel_loop3A_227 : i32
          %parallel_loop3A_229 = arith.constant 16 : i32
          %parallel_loop3A_230 = arith.muli %parallel_loop3A_87, %parallel_loop3A_229 : i32
          %parallel_loop3A_231 = arith.index_cast %parallel_loop3A_228 : i32 to index
          %parallel_loop3A_232 = arith.index_cast %parallel_loop3A_230 : i32 to index
          %parallel_loop3A_233 = tpu.vector_load %arg4[%parallel_loop3A_231, %parallel_loop3A_232] {strides = array<i32>} : memref<32x512xf32, #tpu.memory_space<vmem>>, vector<16xf32>,
          %parallel_loop3A_234 = arith.addf %parallel_loop3A_224, %parallel_loop3A_233 : vector<16xf32>
          %parallel_loop3A_235 = arith.constant 16 : i32
          %parallel_loop3A_236 = arith.muli %scan3A_45, %parallel_loop3A_235 : i32
          %parallel_loop3A_237 = arith.constant 15 : i32
          %parallel_loop3A_238 = arith.addi %parallel_loop3A_236, %parallel_loop3A_237 : i32
          %parallel_loop3A_239 = arith.constant 16 : i32
          %parallel_loop3A_240 = arith.muli %parallel_loop3A_87, %parallel_loop3A_239 : i32
          %parallel_loop3A_241 = arith.index_cast %parallel_loop3A_238 : i32 to index
          %parallel_loop3A_242 = arith.index_cast %parallel_loop3A_240 : i32 to index
          %parallel_loop3A_243 = tpu.vector_load %arg4[%parallel_loop3A_241, %parallel_loop3A_242] {strides = array<i32>} : memref<32x512xf32, #tpu.memory_space<vmem>>, vector<16xf32>,
          %parallel_loop3A_244 = arith.addf %parallel_loop3A_234, %parallel_loop3A_243 : vector<16xf32>
          %parallel_loop3A_245 = vector.broadcast %parallel_loop3A_87 : i32 to vector<16xi32>
          %parallel_loop3A_246 = arith.addi %mul3A_58, %parallel_loop3A_245 : vector<16xi32>
          tpu.vector_store_idx %arg5[%parallel_loop3A_246], %parallel_loop3A_244 : memref<512xf32, #tpu.memory_space<vmem>>[vector<16xi32>], vector<16xf32>,
        } {sc.loop_unroll_factor = 1 : i64, sc.parallel_access}
        %get3A = arith.constant 0 : index
        %get3A_61 = tpu.vector_load %arg5[%get3A] {strides = array<i32>} : memref<512xf32, #tpu.memory_space<vmem>>, vector<16xf32>,
        %scan3A_62 = arith.constant 1 : i32
        %scan3A_63 = arith.constant 15 : i32
        %scan3A_64 = arith.addi %scan3A_62, %scan3A_63 : i32
        %scan3A_65 = arith.constant 1 : i32
        %scan3A_66 = scf.for %scan3A_87 = %scan3A_62 to %scan3A_64 step %scan3A_65 iter_args(%scan3A_88 = %get3A_61) -> (vector<16xf32>)  : i32 {
          %mul3A_89 = arith.constant 32 : i32
          %mul3A_90 = arith.muli %scan3A_87, %mul3A_89 : i32
          %add3A_91 = arith.constant 0 : i32
          %add3A_92 = arith.addi %mul3A_90, %add3A_91 : i32
          %get3A_93 = arith.index_cast %add3A_92 : i32 to index
          %get3A_94 = tpu.vector_load %arg5[%get3A_93] {strides = array<i32>} : memref<512xf32, #tpu.memory_space<vmem>>, vector<16xf32>,
          %add3A_95 = arith.addf %scan3A_88, %get3A_94 : vector<16xf32>
          scf.yield %add3A_95 : vector<16xf32>
        }
        %scan3A_67 = arith.constant 15 : i32
        %mul3A_68 = arith.constant 32 : i32
        %mul3A_69 = arith.muli %scan3A_45, %mul3A_68 : i32
        %add3A_70 = arith.constant 0 : i32
        %add3A_71 = arith.addi %mul3A_69, %add3A_70 : i32
        %swap3A = arith.index_cast %add3A_71 : i32 to index
        %swap3A_72 = tpu.vector_load %arg6[%swap3A] {strides = array<i32>} : memref<64xf32, #tpu.memory_space<vmem>>, vector<16xf32>,
        tpu.vector_store %arg6[%swap3A], %scan3A_66 {strides = array<i32>} : memref<64xf32, #tpu.memory_space<vmem>>, vector<16xf32>,
        %get3A_73 = arith.constant 16 : index
        %get3A_74 = tpu.vector_load %arg5[%get3A_73] {strides = array<i32>} : memref<512xf32, #tpu.memory_space<vmem>>, vector<16xf32>,
        %scan3A_75 = arith.constant 1 : i32
        %scan3A_76 = arith.constant 15 : i32
        %scan3A_77 = arith.addi %scan3A_75, %scan3A_76 : i32
        %scan3A_78 = arith.constant 1 : i32
        %scan3A_79 = scf.for %scan3A_87 = %scan3A_75 to %scan3A_77 step %scan3A_78 iter_args(%scan3A_88 = %get3A_74) -> (vector<16xf32>)  : i32 {
          %mul3A_89 = arith.constant 32 : i32
          %mul3A_90 = arith.muli %scan3A_87, %mul3A_89 : i32
          %add3A_91 = arith.constant 16 : i32
          %add3A_92 = arith.addi %mul3A_90, %add3A_91 : i32
          %get3A_93 = arith.index_cast %add3A_92 : i32 to index
          %get3A_94 = tpu.vector_load %arg5[%get3A_93] {strides = array<i32>} : memref<512xf32, #tpu.memory_space<vmem>>, vector<16xf32>,
          %add3A_95 = arith.addf %scan3A_88, %get3A_94 : vector<16xf32>
          scf.yield %add3A_95 : vector<16xf32>
        }
        %scan3A_80 = arith.constant 15 : i32
        %mul3A_81 = arith.constant 32 : i32
        %mul3A_82 = arith.muli %scan3A_45, %mul3A_81 : i32
        %add3A_83 = arith.constant 16 : i32
        %add3A_84 = arith.addi %mul3A_82, %add3A_83 : i32
        %swap3A_85 = arith.index_cast %add3A_84 : i32 to index
        %swap3A_86 = tpu.vector_load %arg6[%swap3A_85] {strides = array<i32>} : memref<64xf32, #tpu.memory_space<vmem>>, vector<16xf32>,
        tpu.vector_store %arg6[%swap3A_85], %scan3A_79 {strides = array<i32>} : memref<64xf32, #tpu.memory_space<vmem>>, vector<16xf32>,
      }
      %scan3A_37 = arith.constant 2 : i32
      %mul3A_38 = arith.constant 64 : i32
      %mul3A_39 = arith.muli %arg1, %mul3A_38 : i32
      "tpu.region"() ({
        %run_scoped3A = tpu.sem_alloc : memref<!tpu.dma_semaphore, #tpu.memory_space<semaphore_mem>>
        %dma_start3A_45 = tpu.memref_slice %arg7[%mul3A_39] : memref<1024xf32, #tpu.memory_space<vmem_shared>> -> memref<64xf32, #tpu.memory_space<vmem_shared>>
        %dma_start3A_46 = tpu.memref_slice %arg7[%mul3A_39] : memref<1024xf32, #tpu.memory_space<vmem_shared>> -> memref<64xf32, #tpu.memory_space<vmem_shared>>
        tpu.enqueue_dma source(%arg6 : memref<64xf32, #tpu.memory_space<vmem>>) target(%dma_start3A_46 : memref<64xf32, #tpu.memory_space<vmem_shared>>) target_semaphore(%run_scoped3A : memref<!tpu.dma_semaphore, #tpu.memory_space<semaphore_mem>>)
        %dma_wait3A = tpu.memref_slice %arg7[%mul3A_39] : memref<1024xf32, #tpu.memory_space<vmem_shared>> -> memref<64xf32, #tpu.memory_space<vmem_shared>>
        %dma_wait3A_47 = tpu.memref_slice %arg7[%mul3A_39] : memref<1024xf32, #tpu.memory_space<vmem_shared>> -> memref<64xf32, #tpu.memory_space<vmem_shared>>
        tpu.wait_dma2 semaphore(%run_scoped3A : memref<!tpu.dma_semaphore, #tpu.memory_space<semaphore_mem>>) src(%arg6 : memref<64xf32, #tpu.memory_space<vmem>>) dst(%dma_wait3A_47 : memref<64xf32, #tpu.memory_space<vmem_shared>>)
        tpu.yield
      }) : () -> ()
      %barrier3A = arith.constant 0 : index
      tpu.barrier barrier_id(%barrier3A)
      %eq3A_40 = arith.constant 0 : i32
      %eq3A_41 = arith.cmpi eq, %arg1, %eq3A_40 : i32
      %convert_element_type3A_42 = arith.extui %eq3A_41 : i1 to i32
      %cond3A_43 = arith.constant 0 : i32
      %cond3A_44 = arith.cmpi ne, %convert_element_type3A_42, %cond3A_43 : i32
      scf.if %cond3A_44 {
        "tpu.region"() ({
          %run_scoped3A = tpu.sem_alloc : memref<!tpu.dma_semaphore, #tpu.memory_space<semaphore_mem>>
          tpu.enqueue_dma source(%arg7 : memref<1024xf32, #tpu.memory_space<vmem_shared>>) target(%arg8 : memref<1024xf32, #tpu.memory_space<vmem>>) target_semaphore(%run_scoped3A : memref<!tpu.dma_semaphore, #tpu.memory_space<semaphore_mem>>)
          tpu.wait_dma2 semaphore(%run_scoped3A : memref<!tpu.dma_semaphore, #tpu.memory_space<semaphore_mem>>) src(%arg7 : memref<1024xf32, #tpu.memory_space<vmem_shared>>) dst(%arg8 : memref<1024xf32, #tpu.memory_space<vmem>>)
          tpu.yield
        }) : () -> ()
        %broadcast_in_dim3A = arith.constant 0 : i32
        %broadcast_in_dim3A_45 = vector.broadcast %broadcast_in_dim3A : i32 to vector<16xi32>
        %eq3A_46 = arith.constant 0 : i32
        %eq3A_47 = vector.broadcast %eq3A_46 : i32 to vector<16xi32>
        %eq3A_48 = arith.cmpi eq, %iota3A, %eq3A_47 : vector<16xi32>
        tpu.vector_store_idx %arg9[%broadcast_in_dim3A_45], %broadcast_in_dim3A_45 masked %eq3A_48 : memref<1056xi32, #tpu.memory_space<vmem>>[vector<16xi32>], vector<16xi32>, vector<16xi1>
        %scan3A_49 = arith.constant 0 : i32
        %scan3A_50 = arith.constant 16 : i32
        %scan3A_51 = arith.addi %scan3A_49, %scan3A_50 : i32
        %scan3A_52 = arith.constant 1 : i32
        %scan3A_53 = scf.for %scan3A_72 = %scan3A_49 to %scan3A_51 step %scan3A_52 iter_args(%scan3A_73 = %broadcast_in_dim3A_45) -> (vector<16xi32>)  : i32 {
          %mul3A_74 = arith.constant 4 : i32
          %mul3A_75 = arith.muli %scan3A_72, %mul3A_74 : i32
          %add3A_76 = arith.constant 0 : i32
          %add3A_77 = arith.addi %mul3A_75, %add3A_76 : i32
          %mul3A_78 = arith.constant 16 : i32
          %mul3A_79 = arith.muli %add3A_77, %mul3A_78 : i32
          %get3A = arith.index_cast %mul3A_79 : i32 to index
          %get3A_80 = tpu.vector_load %arg8[%get3A] {strides = array<i32>} : memref<1024xf32, #tpu.memory_space<vmem>>, vector<16xf32>,
          %gt3A = arith.constant 0.000000e+00 : f32
          %gt3A_81 = vector.broadcast %gt3A : f32 to vector<16xf32>
          %gt3A_82 = arith.cmpf ogt, %get3A_80, %gt3A_81 : vector<16xf32>
          %convert_element_type3A_83 = arith.extui %gt3A_82 : vector<16xi1> to vector<16xi32>
          %broadcast_in_dim3A_84 = arith.constant true
          %broadcast_in_dim3A_85 = vector.broadcast %broadcast_in_dim3A_84 : i1 to vector<16xi1>
          %masked_cumsum3A = tpu.scan <sum>, %convert_element_type3A_83 masked %broadcast_in_dim3A_85 : vector<16xi32>, vector<16xi1> -> vector<16xi32>
          %all_reduce_population_count3A = tpu.all_reduce %gt3A_82 {dim = 0 : i64, kind = #tpu.reduction_kind<sum>} : vector<16xi1> -> vector<16xi32>
          %mul3A_86 = arith.constant 4 : i32
          %mul3A_87 = arith.muli %scan3A_72, %mul3A_86 : i32
          %add3A_88 = arith.constant 1 : i32
          %add3A_89 = arith.addi %mul3A_87, %add3A_88 : i32
          %mul3A_90 = arith.constant 16 : i32
          %mul3A_91 = arith.muli %add3A_89, %mul3A_90 : i32
          %get3A_92 = arith.index_cast %mul3A_91 : i32 to index
          %get3A_93 = tpu.vector_load %arg8[%get3A_92] {strides = array<i32>} : memref<1024xf32, #tpu.memory_space<vmem>>, vector<16xf32>,
          %gt3A_94 = arith.constant 0.000000e+00 : f32
          %gt3A_95 = vector.broadcast %gt3A_94 : f32 to vector<16xf32>
          %gt3A_96 = arith.cmpf ogt, %get3A_93, %gt3A_95 : vector<16xf32>
          %convert_element_type3A_97 = arith.extui %gt3A_96 : vector<16xi1> to vector<16xi32>
          %broadcast_in_dim3A_98 = arith.constant true
          %broadcast_in_dim3A_99 = vector.broadcast %broadcast_in_dim3A_98 : i1 to vector<16xi1>
          %masked_cumsum3A_100 = tpu.scan <sum>, %convert_element_type3A_97 masked %broadcast_in_dim3A_99 : vector<16xi32>, vector<16xi1> -> vector<16xi32>
          %all_reduce_population_count3A_101 = tpu.all_reduce %gt3A_96 {dim = 0 : i64, kind = #tpu.reduction_kind<sum>} : vector<16xi1> -> vector<16xi32>
          %mul3A_102 = arith.constant 4 : i32
          %mul3A_103 = arith.muli %scan3A_72, %mul3A_102 : i32
          %add3A_104 = arith.constant 2 : i32
          %add3A_105 = arith.addi %mul3A_103, %add3A_104 : i32
          %mul3A_106 = arith.constant 16 : i32
          %mul3A_107 = arith.muli %add3A_105, %mul3A_106 : i32
          %get3A_108 = arith.index_cast %mul3A_107 : i32 to index
          %get3A_109 = tpu.vector_load %arg8[%get3A_108] {strides = array<i32>} : memref<1024xf32, #tpu.memory_space<vmem>>, vector<16xf32>,
          %gt3A_110 = arith.constant 0.000000e+00 : f32
          %gt3A_111 = vector.broadcast %gt3A_110 : f32 to vector<16xf32>
          %gt3A_112 = arith.cmpf ogt, %get3A_109, %gt3A_111 : vector<16xf32>
          %convert_element_type3A_113 = arith.extui %gt3A_112 : vector<16xi1> to vector<16xi32>
          %broadcast_in_dim3A_114 = arith.constant true
          %broadcast_in_dim3A_115 = vector.broadcast %broadcast_in_dim3A_114 : i1 to vector<16xi1>
          %masked_cumsum3A_116 = tpu.scan <sum>, %convert_element_type3A_113 masked %broadcast_in_dim3A_115 : vector<16xi32>, vector<16xi1> -> vector<16xi32>
          %all_reduce_population_count3A_117 = tpu.all_reduce %gt3A_112 {dim = 0 : i64, kind = #tpu.reduction_kind<sum>} : vector<16xi1> -> vector<16xi32>
          %mul3A_118 = arith.constant 4 : i32
          %mul3A_119 = arith.muli %scan3A_72, %mul3A_118 : i32
          %add3A_120 = arith.constant 3 : i32
          %add3A_121 = arith.addi %mul3A_119, %add3A_120 : i32
          %mul3A_122 = arith.constant 16 : i32
          %mul3A_123 = arith.muli %add3A_121, %mul3A_122 : i32
          %get3A_124 = arith.index_cast %mul3A_123 : i32 to index
          %get3A_125 = tpu.vector_load %arg8[%get3A_124] {strides = array<i32>} : memref<1024xf32, #tpu.memory_space<vmem>>, vector<16xf32>,
          %gt3A_126 = arith.constant 0.000000e+00 : f32
          %gt3A_127 = vector.broadcast %gt3A_126 : f32 to vector<16xf32>
          %gt3A_128 = arith.cmpf ogt, %get3A_125, %gt3A_127 : vector<16xf32>
          %convert_element_type3A_129 = arith.extui %gt3A_128 : vector<16xi1> to vector<16xi32>
          %broadcast_in_dim3A_130 = arith.constant true
          %broadcast_in_dim3A_131 = vector.broadcast %broadcast_in_dim3A_130 : i1 to vector<16xi1>
          %masked_cumsum3A_132 = tpu.scan <sum>, %convert_element_type3A_129 masked %broadcast_in_dim3A_131 : vector<16xi32>, vector<16xi1> -> vector<16xi32>
          %all_reduce_population_count3A_133 = tpu.all_reduce %gt3A_128 {dim = 0 : i64, kind = #tpu.reduction_kind<sum>} : vector<16xi1> -> vector<16xi32>
          %mul3A_134 = arith.constant 4 : i32
          %mul3A_135 = arith.muli %scan3A_72, %mul3A_134 : i32
          %add3A_136 = arith.constant 0 : i32
          %add3A_137 = arith.addi %mul3A_135, %add3A_136 : i32
          %add3A_138 = arith.addi %scan3A_73, %masked_cumsum3A : vector<16xi32>
          %mul3A_139 = arith.constant 16 : i32
          %mul3A_140 = arith.muli %add3A_137, %mul3A_139 : i32
          %add3A_141 = vector.broadcast %mul3A_140 : i32 to vector<16xi32>
          %add3A_142 = arith.addi %iota3A, %add3A_141 : vector<16xi32>
          %add3A_143 = arith.constant 1 : i32
          %add3A_144 = vector.broadcast %add3A_143 : i32 to vector<16xi32>
          %add3A_145 = arith.addi %add3A_142, %add3A_144 : vector<16xi32>
          tpu.vector_store_idx %arg9[%add3A_138], %add3A_145 masked %gt3A_82 : memref<1056xi32, #tpu.memory_space<vmem>>[vector<16xi32>], vector<16xi32>, vector<16xi1>
          %add3A_146 = arith.addi %scan3A_73, %all_reduce_population_count3A : vector<16xi32>
          %mul3A_147 = arith.constant 4 : i32
          %mul3A_148 = arith.muli %scan3A_72, %mul3A_147 : i32
          %add3A_149 = arith.constant 1 : i32
          %add3A_150 = arith.addi %mul3A_148, %add3A_149 : i32
          %add3A_151 = arith.addi %add3A_146, %masked_cumsum3A_100 : vector<16xi32>
          %mul3A_152 = arith.constant 16 : i32
          %mul3A_153 = arith.muli %add3A_150, %mul3A_152 : i32
          %add3A_154 = vector.broadcast %mul3A_153 : i32 to vector<16xi32>
          %add3A_155 = arith.addi %iota3A, %add3A_154 : vector<16xi32>
          %add3A_156 = arith.constant 1 : i32
          %add3A_157 = vector.broadcast %add3A_156 : i32 to vector<16xi32>
          %add3A_158 = arith.addi %add3A_155, %add3A_157 : vector<16xi32>
          tpu.vector_store_idx %arg9[%add3A_151], %add3A_158 masked %gt3A_96 : memref<1056xi32, #tpu.memory_space<vmem>>[vector<16xi32>], vector<16xi32>, vector<16xi1>
          %add3A_159 = arith.addi %add3A_146, %all_reduce_population_count3A_101 : vector<16xi32>
          %mul3A_160 = arith.constant 4 : i32
          %mul3A_161 = arith.muli %scan3A_72, %mul3A_160 : i32
          %add3A_162 = arith.constant 2 : i32
          %add3A_163 = arith.addi %mul3A_161, %add3A_162 : i32
          %add3A_164 = arith.addi %add3A_159, %masked_cumsum3A_116 : vector<16xi32>
          %mul3A_165 = arith.constant 16 : i32
          %mul3A_166 = arith.muli %add3A_163, %mul3A_165 : i32
          %add3A_167 = vector.broadcast %mul3A_166 : i32 to vector<16xi32>
          %add3A_168 = arith.addi %iota3A, %add3A_167 : vector<16xi32>
          %add3A_169 = arith.constant 1 : i32
          %add3A_170 = vector.broadcast %add3A_169 : i32 to vector<16xi32>
          %add3A_171 = arith.addi %add3A_168, %add3A_170 : vector<16xi32>
          tpu.vector_store_idx %arg9[%add3A_164], %add3A_171 masked %gt3A_112 : memref<1056xi32, #tpu.memory_space<vmem>>[vector<16xi32>], vector<16xi32>, vector<16xi1>
          %add3A_172 = arith.addi %add3A_159, %all_reduce_population_count3A_117 : vector<16xi32>
          %mul3A_173 = arith.constant 4 : i32
          %mul3A_174 = arith.muli %scan3A_72, %mul3A_173 : i32
          %add3A_175 = arith.constant 3 : i32
          %add3A_176 = arith.addi %mul3A_174, %add3A_175 : i32
          %add3A_177 = arith.addi %add3A_172, %masked_cumsum3A_132 : vector<16xi32>
          %mul3A_178 = arith.constant 16 : i32
          %mul3A_179 = arith.muli %add3A_176, %mul3A_178 : i32
          %add3A_180 = vector.broadcast %mul3A_179 : i32 to vector<16xi32>
          %add3A_181 = arith.addi %iota3A, %add3A_180 : vector<16xi32>
          %add3A_182 = arith.constant 1 : i32
          %add3A_183 = vector.broadcast %add3A_182 : i32 to vector<16xi32>
          %add3A_184 = arith.addi %add3A_181, %add3A_183 : vector<16xi32>
          tpu.vector_store_idx %arg9[%add3A_177], %add3A_184 masked %gt3A_128 : memref<1056xi32, #tpu.memory_space<vmem>>[vector<16xi32>], vector<16xi32>, vector<16xi1>
          %add3A_185 = arith.addi %add3A_172, %all_reduce_population_count3A_133 : vector<16xi32>
          scf.yield %add3A_185 : vector<16xi32>
        }
        %scan3A_54 = arith.constant 16 : i32
        %broadcast_in_dim3A_55 = arith.constant 1 : i32
        %broadcast_in_dim3A_56 = vector.broadcast %broadcast_in_dim3A_55 : i32 to vector<16xi32>
        %add3A_57 = arith.constant 1 : i32
        %add3A_58 = vector.broadcast %add3A_57 : i32 to vector<16xi32>
        %add3A_59 = arith.addi %scan3A_53, %add3A_58 : vector<16xi32>
        %add3A_60 = arith.addi %add3A_59, %iota3A : vector<16xi32>
        tpu.vector_store_idx %arg9[%add3A_60], %broadcast_in_dim3A_56 : memref<1056xi32, #tpu.memory_space<vmem>>[vector<16xi32>], vector<16xi32>,
        %slice3A = vector.extract_strided_slice %scan3A_53 {offsets = [0], sizes = [1], strides = [1]} : vector<16xi32> to vector<1xi32>
        %squeeze3A = vector.extract %slice3A[0] : i32 from vector<1xi32>
        %div3A = arith.constant 16 : i32
        %div3A_61 = arith.divsi %squeeze3A, %div3A : i32
        %add3A_62 = arith.constant 1 : i32
        %add3A_63 = arith.addi %div3A_61, %add3A_62 : i32
        %parallel_loop3A = arith.constant 66 : i32
        %parallel_loop3A_64 = arith.constant 1 : i32
        scf.for %parallel_loop3A_72 = %add3A_63 to %parallel_loop3A step %parallel_loop3A_64  : i32 {
          %parallel_loop3A_73 = arith.constant 16 : i32
          %parallel_loop3A_74 = arith.muli %parallel_loop3A_72, %parallel_loop3A_73 : i32
          %parallel_loop3A_75 = arith.index_cast %parallel_loop3A_74 : i32 to index
          %parallel_loop3A_76 = tpu.vector_load %arg9[%parallel_loop3A_75] {strides = array<i32>} : memref<1056xi32, #tpu.memory_space<vmem>>, vector<16xi32>,
          tpu.vector_store %arg9[%parallel_loop3A_75], %broadcast_in_dim3A_56 {strides = array<i32>} : memref<1056xi32, #tpu.memory_space<vmem>>, vector<16xi32>,
        } {sc.loop_unroll_factor = 1 : i64, sc.parallel_access}
        %dma_start3A_65 = arith.constant 0 : i32
        %dma_start3A_66 = tpu.memref_slice %arg9[%dma_start3A_65] : memref<1056xi32, #tpu.memory_space<vmem>> -> memref<1025xi32, #tpu.memory_space<vmem>>
        %dma_start3A_67 = arith.constant 0 : i32
        %dma_start3A_68 = tpu.memref_slice %arg9[%dma_start3A_67] : memref<1056xi32, #tpu.memory_space<vmem>> -> memref<1025xi32, #tpu.memory_space<vmem>>
        tpu.enqueue_dma source(%dma_start3A_68 : memref<1025xi32, #tpu.memory_space<vmem>>) target(%arg3 : memref<1025xi32, #tpu.memory_space<hbm>>) target_semaphore(%arg12 : memref<!tpu.dma_semaphore, #tpu.memory_space<semaphore_mem>>)
        %dma_wait3A = arith.constant 0 : i32
        %dma_wait3A_69 = tpu.memref_slice %arg9[%dma_wait3A] : memref<1056xi32, #tpu.memory_space<vmem>> -> memref<1025xi32, #tpu.memory_space<vmem>>
        %dma_wait3A_70 = arith.constant 0 : i32
        %dma_wait3A_71 = tpu.memref_slice %arg9[%dma_wait3A_70] : memref<1056xi32, #tpu.memory_space<vmem>> -> memref<1025xi32, #tpu.memory_space<vmem>>
        tpu.wait_dma2 semaphore(%arg12 : memref<!tpu.dma_semaphore, #tpu.memory_space<semaphore_mem>>) src(%dma_wait3A_71 : memref<1025xi32, #tpu.memory_space<vmem>>) dst(%arg3 : memref<1025xi32, #tpu.memory_space<hbm>>)
      } else {
      }
    } else {
    }
    return
  }
}

</mosaic_0001>

<sc_bundles>
// kernel: kernel.3.cloned.1.call-start
scs
__scs_entry_jumppad:
0x0: {  	(pc) =	sbr.rel $0x88, $3  }
0x1: {  	(tag) =	ssettag $0x0;
	lr =	simm.s32 $0x1  }
0x2: {  	[smem:$0x3FA0] =	sst lr;
	_ =	strace $0xD0000000  }
0x3: {  	_ = 	snop  }
0x4: {  	_ = 	snop  }
0x5: {  	_ = 	snop  }
0x6: {  	_ = 	snop  }
0x7: {  	_ = 	snop  }
__scs_overlays_trampoline_lowered:
0x8: {  	[smem:$0x3FAF] =	sst s0  }
0x9: {  	[smem:$0x3FB0] =	sst s1  }
0xa: {  	[smem:$0x3FB1] =	sst s2  }
0xb: {  	[smem:$0x3FB2] =	sst s3  }
0xc: {  	[smem:$0x3FB3] =	sst s4  }
0xd: {  	[smem:$0x3FB4] =	sst s5  }
0xe: {  	[smem:$0x3FB5] =	sst s6  }
0xf: {  	[smem:$0x3FB6] =	sst s7  }
0x10: {  	[smem:$0x3FB7] =	sst s8  }
0x11: {  	[smem:$0x3FB8] =	sst s9;
	s0 =	simm.s32 @!p0 $0x0  }
0x12: {  	s1 =	sld [smem:$0x3F9E];
	s0 =	simm.s32 @p0 $0x1  }
0x13: {  	[smem:$0x3FB9] =	sst s0;
	s0 =	simm.s32 @!p1 $0x0  }
0x14: {  	s2 =	sld [smem:$0x3F9D];
	s0 =	simm.s32 @p1 $0x1  }
0x15: {  	[smem:$0x3FBA] =	sst s0;
	s0 =	simm.s32 @!p2 $0x0  }
0x16: {  	s3 =	sld [smem:$0x3FDB];
	s0 =	simm.s32 @p2 $0x1  }
0x17: {  	s4 =	simm.s32 $0x1BF5;
	[smem:$0x3FBC] =	sst s0  }
0x18: {  	s0 =	sld [smem:$0x3F9F];
	_ =	swait.ge [sflag:s4], $0x0  }
0x19: {  	s7 =	sld [smem:$0x3FA0]  }
0x1a: {  	s8 =	sadd.s32 $0xFFFFE003, lr  }
0x1b: {  	s9 =	sadd.s32 $0xFFFFFEF7, lr;
	s5 =	simm.s32 $0xFFFFFFFF;
	p2 =	slt.u32 s8, $0xFFFFF086  }
0x1c: {  	p1 =	slt.u32 s9, $0xF7A;
	s5 =	simm.s32 @!p2 $0x0  }
0x1d: {  	s5 =	simm.s32 @p1 $0x1;
	p0 =	seq.s32 s7, s2  }
0x1e: {  	s7 =	smul.u32 @!p0 $0xF7A, s2;
	p2 =	seq.s32 @!p0 s5, $0x0  }
0x1f: {  	s9 =	smul.u32 $0xF7A, s1;
	s8 =	simm.s32 @!p0 $0x1BF5;
	p2 =	por !p2, p0  }
0x20: {  	[sflag:s8] =	ssyncset.s32 @!p0 $0xFFFFF086;
	s6 =	sadd.s32 @!p0 s3, s7;
	s7 =	simm.s32 @!p0 $0x108  }
0x21: {  	s3 =	sadd.s32 s3, s9;
	s6 =	sadd.s32 @!p0 $0x88, s6;
	s7 =	simm.s32 @p2 $0x1082  }
0x22: {  	[simem:s7], [sflag:s8] =	dma.local @!p0 [hbm:s6], $0xF7A  }
0x23: {  	s9 =	sor.u32 $0xD0000000, s2;
	s6 =	simm.s32 $0x108;
	_ =	swait.ge @!p0 [sflag:s8], $0x0  }
0x24: {  	s3 =	sadd.s32 $0x88, s3;
	s6 =	simm.s32 @!p1 $0x1082;
	[sflag:s4] =	ssyncset.s32 $0xFFFFF086  }
0x25: {  	[simem:s6], [sflag:s4] =	dma.local [hbm:s3], $0xF7A  }
0x26: {  	[smem:$0x3FA0] =	sst s1;
	(tag) =	ssettag s2;
	_ =	strace s9  }
0x27: {  	s1 =	sld [smem:$0x3FB0]  }
0x28: {  	s2 =	sld [smem:$0x3FB1]  }
0x29: {  	s4 =	sld [smem:$0x3FB3]  }
0x2a: {  	p0 =	seq.s32 s5, $0x0;
	s5 =	sld [smem:$0x3FB4]  }
0x2b: {  	s6 =	sld [smem:$0x3FB5]  }
0x2c: {  	s7 =	sld [smem:$0x3FB6]  }
0x2d: {  	s3 =	simm.s32 $0x108;
	s8 =	sld [smem:$0x3FB7]  }
0x2e: {  	s3 =	simm.s32 @!p0 $0x1082;
	s9 =	sld [smem:$0x3FB8]  }
0x2f: {  	lr =	sadd.s32 s0, s3;
	s0 =	sld [smem:$0x3FAF]  }
0x30: {  	s3 =	sld [smem:$0x3FB2]  }
0x31: {  	[smem:$0x3FBB] =	sst s10  }
0x32: {  	s10 =	sld [smem:$0x3FB9];
	_ =	sdelay $0x3  }
0x33: {  	p0 =	seq.s32 s10, $0x1;
	s10 =	sld [smem:$0x3FBB];
	_ =	sdelay $0x3  }
0x34: {  	[smem:$0x3FBB] =	sst s10  }
0x35: {  	s10 =	sld [smem:$0x3FBA];
	_ =	sdelay $0x3  }
0x36: {  	p1 =	seq.s32 s10, $0x1;
	s10 =	sld [smem:$0x3FBB];
	_ =	sdelay $0x3  }
0x37: {  	[smem:$0x3FBB] =	sst s10  }
0x38: {  	s10 =	sld [smem:$0x3FBC]  }
0x39: {  	_ = 	snop;
	(pc) =	sbr.ind lr, $3  }
0x3a: {  	_ = 	snop  }
0x3b: {  	_ = 	snop  }
0x3c: {  	p2 =	seq.s32 s10, $0x1;
	s10 =	sld [smem:$0x3FBB]  }
0x3d: {  	_ =	shalt  }
0x3e: {  	_ =	shalt  }
0x3f: {  	_ =	shalt  }
0x40: {  	_ =	shalt  }
0x41: {  	_ =	shalt  }
0x42: {  	_ =	shalt  }
0x43: {  	_ =	shalt  }
0x44: {  	_ =	shalt  }
0x45: {  	_ =	shalt  }
0x46: {  	_ =	shalt  }
0x47: {  	_ =	shalt  }
0x48: {  	_ =	shalt  }
0x49: {  	_ =	shalt  }
0x4a: {  	_ =	shalt  }
0x4b: {  	_ =	shalt  }
0x4c: {  	_ =	shalt  }
0x4d: {  	_ =	shalt  }
0x4e: {  	_ =	shalt  }
0x4f: {  	_ =	shalt  }
0x50: {  	_ =	shalt  }
0x51: {  	_ =	shalt  }
0x52: {  	_ =	shalt  }
0x53: {  	_ =	shalt  }
0x54: {  	_ =	shalt  }
0x55: {  	_ =	shalt  }
0x56: {  	_ =	shalt  }
0x57: {  	_ =	shalt  }
0x58: {  	_ =	shalt  }
0x59: {  	_ =	shalt  }
0x5a: {  	_ =	shalt  }
0x5b: {  	_ =	shalt  }
0x5c: {  	_ =	shalt  }
0x5d: {  	_ =	shalt  }
0x5e: {  	_ =	shalt  }
0x5f: {  	_ =	shalt  }
0x60: {  	_ =	shalt  }
0x61: {  	_ =	shalt  }
0x62: {  	_ =	shalt  }
0x63: {  	_ =	shalt  }
0x64: {  	_ =	shalt  }
0x65: {  	_ =	shalt  }
0x66: {  	_ =	shalt  }
0x67: {  	_ =	shalt  }
0x68: {  	_ =	shalt  }
0x69: {  	_ =	shalt  }
0x6a: {  	_ =	shalt  }
0x6b: {  	_ =	shalt  }
0x6c: {  	_ =	shalt  }
0x6d: {  	_ =	shalt  }
0x6e: {  	_ =	shalt  }
0x6f: {  	_ =	shalt  }
0x70: {  	_ =	shalt  }
0x71: {  	_ =	shalt  }
0x72: {  	_ =	shalt  }
0x73: {  	_ =	shalt  }
0x74: {  	_ =	shalt  }
0x75: {  	_ =	shalt  }
0x76: {  	_ =	shalt  }
0x77: {  	_ =	shalt  }
0x78: {  	_ =	shalt  }
0x79: {  	_ =	shalt  }
0x7a: {  	_ =	shalt  }
0x7b: {  	_ =	shalt  }
0x7c: {  	_ =	shalt  }
0x7d: {  	_ =	shalt  }
0x7e: {  	_ =	shalt  }
0x7f: {  	_ =	shalt  }
0x80: {  	_ =	shalt  }
0x81: {  	_ =	shalt  }
0x82: {  	_ =	shalt  }
0x83: {  	_ =	shalt  }
0x84: {  	_ =	shalt  }
0x85: {  	_ =	shalt  }
0x86: {  	_ =	shalt  }
0x87: {  	_ =	shalt  }
.Lfunc_end0:
.L_simem_size_0:
called_computation_lowered:
.L_overlay_start_0:
0x88: {  	s0 =	sld [smem:$0x3FD9]  }
0x89: {  	s1 =	sld [smem:$0x3FFE];
	_ =	sdelay $0x3  }
0x8a: {  	s0 =	sadd.s32 s1, s0  }
0x8b: {  	[smem:$0x3FC7] =	sst s0  }
0x8c: {  	_ = 	snop  }
0x8d: {  	s0 =	sld [smem:$0x3FC9];
	(tm) =	ssettm $0x1  }
0x8e: {  	s16 =	sld [smem:$0x3FFB];
	_ =	sdelay $0x3  }
0x8f: {  	_ =	strace s16  }
0x90: {  	s1 =	sld [smem:$0x3FFC];
	_ =	sdelay $0x3  }
0x91: {  	_ =	strace s1  }
0x92: {  	s1 =	sld [smem:$0x3FFD];
	_ =	sdelay $0x3  }
0x93: {  	_ =	strace s1  }
0x94: {  	_ =	strace $0x8FFFFFFF  }
0x95: {  	s17 =	sld [smem:$0x3FDB];
	_ =	sdelay $0x1  }
0x96: {  	s2 =	simm.s32 $_scs_section_size  }
0x97: {  	s3 =	simm.s32 $_size__tile_overlayer_lowered;
	s4 =	simm.s32 $_tile_overlayer_lowered  }
0x98: {  	s20 =	simm.s32 $0x1BFF;
	s19 =	sshll.u32 s4, $0x1;
	s1 =	sadd.s32 s2, s17  }
0x99: {  	s5 =	simm.s32 $0x0;
	s18 =	sshll.u32 s3, $0x1;
	s3 =	sadd.s32 s19, s1  }
0x9a: {  	[timem:s5], [sflag:s20] =	dma.local [hbm:s3], s18  }
0x9b: {  	_ =	swait.ge [sflag:s20], s18  }
0x9c: {  	s2 =	ssub.s32 $0x0, s18;
	[sflag:s20] =	ssyncset.done $0x0  }
0x9d: {  	[sflag:s20] =	ssyncadd.s32 s2;
	_ =	sdelay $0x1  }
0x9e: {  	s21 =	simm.s32 $0x1B8B  }
0x9f: {  	_ =	swait.ge [sflag:s21], $0x1  }
0xa0: {  	[sflag:s21] =	ssyncset.done $0x0  }
0xa1: {  	s23 =	simm.s32 $0x1B8E;
	s22 =	sld [smem:$0x3FFE];
	[sflag:s21] =	ssyncadd.s32 $0xFFFFFFFF  }
0xa2: {  	s24 =	simm.s32 $execute0_lowered;
	[smem:$0x3FD2] =	sst s23  }
0xa3: {  	s3 =	sshll.u32 s24, $0x1;
	_ =	strace $0x80000046;
	[dreg:$0x1] =	wrdreg $0xFFFFFFFF  }
0xa4: {  	s25 =	simm.s32 $_size_execute0_lowered;
	s1 =	sadd.s32 s1, s3;
	[dreg:$0x0] =	wrdreg $0x0  }
0xa5: {  	s3 =	sshll.u32 s25, $0x1;
	[dreg:$0x2] =	wrdreg s1  }
0xa6: {  	[dreg:$0x3] =	wrdreg s3  }
0xa7: {  	[dreg:$0x4] =	wrdreg $0xC0  }
0xa8: {  	_ =	task [dreg:s5], $0x5FFFF  }
0xa9: {  	[dreg:$0x1] =	wrdreg $0xFFFFFFFF  }
0xaa: {  	[dreg:$0x0] =	wrdreg $0x60  }
0xab: {  	[dreg:$0x2] =	wrdreg s0  }
0xac: {  	[dreg:$0x3] =	wrdreg s22  }
0xad: {  	[dreg:$0x4] =	wrdreg $0x42800  }
0xae: {  	[dreg:$0x5] =	wrdreg $0x9  }
0xaf: {  	_ =	task.clear_ibuf [dreg:s5], $0x6FFFF;
	_ =	strace $0x90000046  }
0xb0: {  	s26 =	simm.s32 $0x9;
	_ =	strace $0x80000048  }
0xb1: {  	_ =	swait.ge [sflag:s26], $0x1  }
0xb2: {  	[sflag:s26] =	ssyncadd.s32 $0xFFFFFFFF  }
0xb3: {  	_ =	strace $0x90000048  }
0xb4: {  	_ =	sfence  }
0xb5: {  	s28 =	sld [smem:$0x0];
	_ =	sdelay $0x1  }
0xb6: {  	s29 =	srdreg.scid  }
0xb7: {  	s30 =	sshll.u32 s29, $0xD;
	s31 =	sshrl.u32 s29, $0x2  }
0xb8: {  	s2 =	sand.u32 $0x4000, s30;
	s1 =	sand.u32 $0x1, s29;
	s0 =	sadd.s32 s31, s28  }
0xb9: {  	s1 =	sor.u32 s2, s1;
	s0 =	sshll.u32 s0, $0x11  }
0xba: {  	s0 =	sor.u32 s0, s1  }
0xbb: {  	s0 =	sadd.s32 $0x8F2B, s0  }
0xbc: {  	[sflag:s0] =	ssyncadd.remote.s32 $0x1  }
0xbd: {  	_ =	sfence.sel $0xFFFF  }
0xbe: {  	[dreg:$0x0] =	wrdreg $0xFFFFFFFF;
	(pc) =	sbr.abs _section_cstart, $3  }
0xbf: {  	[dreg:$0x1] =	wrdreg $0xFFFFFFFF  }
0xc0: {  	_ =	task.clear_ibuf [dreg:s5], $0x2FFFF;
	_ =	strace $0x9FFFFFFF  }
0xc1: {  	(tm) =	ssettm $0x7FFFFFFF  }
tec
execute0_lowered:
.L_overlay_start_1:
0x0: {  	(tag) =	ssettag $0x1  }
0x1: {  	s1 =	rddreg [dreg:$0x0]  }
0x2: {  	s5 =	rddreg [dreg:$0x1]  }
0x3: {  	s2 =	rddreg [dreg:$0x2];
	s4 =	simm.s32 $0x0;
	s3 =	stileid.u32  }
0x4: {  	[smem:$0x7FF] =	sst s4;
	s6 =	sshll.u32 s3, $0xB  }
0x5: {  	s0 =	rddreg [dreg:$0x3];
	_ =	strace $0x80000047;
	s1 =	sadd.s32 s1, s6  }
0x6: {  	[tilespmem:s4], [sflag:$0x1] =	stream.linear.gather [hbm4b:s1+s4], $0x2000, $0x38;
	[tilespmem:$0x4B40] =	vst v63  }
0x7: {  	s31 =	simm.s32 $0x2000;
	v0 =	vlaneseq.u32;
	p1 =	por $0x1, $0x1;
	s1 =	sadd.s32 $0x400, s1  }
0x8: {  	v0 =	vmul.u32 $0x20, v0;
	[tilespmem:s31], [sflag:$0x2] =	stream.linear.gather [hbm4b:s1+s4], $0x2000, $0x38;
	[tilespmem:$0x4B40] =	vst v63  }
0x9: {  	s6 =	simm.s32 $0x0;
	s1 =	sadd.s32 $0x400, s5;
	s5 =	simm.s32 $0x4000  }
.LBB2_1:
0xa: {  	s7 =	sand.u32 $0x1, s6  }
0xb: {  	p0 =	seq.s32 s7, $0x1;
	s7 =	simm.s32 $0x2  }
0xc: {  	s8 =	sshll.u32 s6, $0xD;
	s7 =	simm.s32 @!p0 $0x1  }
0xd: {  	s9 =	sand.u32 $0xC00, s4;
	s8 =	sand.u32 $0x3FFFE000, s8;
	_ =	swait.ge [sflag:s7], $0x2000  }
0xe: {  	s10 =	sand.u32 $0x70, s4;
	s11 =	sadd.s32 s9, s8;
	[sflag:s7] =	ssyncset.done $0x0  }
0xf: {  	s12 =	sadd.s32 s10, s11;
	[sflag:s7] =	ssyncadd.s32 $0xFFFFE000  }
0x10: {  	v1 =	vld [tilespmem:s12+$0x0]  }
0x11: {  	v2 =	vld [tilespmem:s12+$0x80];
	_ =	sdelay $0x1  }
0x12: {  	v3 =	vld [tilespmem:s12+$0x100];
	_ =	sdelay $0x1  }
0x13: {  	v4 =	vld [tilespmem:s12+$0x180]  }
0x14: {  	v1 =	vadd.f32 v2, v1  }
0x15: {  	v2 =	vld [tilespmem:s12+$0x200]  }
0x16: {  	v1 =	vadd.f32 v3, v1  }
0x17: {  	v3 =	vld [tilespmem:s12+$0x280]  }
0x18: {  	v1 =	vadd.f32 v4, v1  }
0x19: {  	s28 =	simm.s32 $0x80;
	s11 =	sor.u32 $0x1000, s8;
	v4 =	vld [tilespmem:s12+$0x300]  }
0x1a: {  	s13 =	simm.s32 $0x10;
	s16 =	sand.u32 $0xC00, s28;
	s29 =	sadd.s32 s9, s11;
	v1 =	vadd.f32 v2, v1  }
0x1b: {  	s18 =	sand.u32 $0x70, s13;
	s30 =	sadd.s32 s16, s8;
	s10 =	sadd.s32 s10, s29;
	v2 =	vld [tilespmem:s12+$0x380]  }
0x1c: {  	s7 =	sadd.s32 s18, s30;
	v5 =	vld [tilespmem:s10+$0x0];
	v1 =	vadd.f32 v3, v1  }
0x1d: {  	v6 =	vld [tilespmem:s7+$0x0]  }
0x1e: {  	v3 =	vld [tilespmem:s12+$0x1080];
	v1 =	vadd.f32 v4, v1  }
0x1f: {  	v4 =	vld [tilespmem:s7+$0x80]  }
0x20: {  	v7 =	vld [tilespmem:s7+$0x100];
	v1 =	vadd.f32 v2, v1  }
0x21: {  	v2 =	vld [tilespmem:s12+$0x1100]  }
0x22: {  	v8 =	vld [tilespmem:s7+$0x180];
	v1 =	vadd.f32 v5, v1  }
0x23: {  	v5 =	vld [tilespmem:s12+$0x1180]  }
0x24: {  	v9 =	vld [tilespmem:s7+$0x200];
	v4 =	vadd.f32 v4, v6;
	v1 =	vadd.f32 v3, v1  }
0x25: {  	v6 =	vld [tilespmem:s12+$0x1200]  }
0x26: {  	v10 =	vld [tilespmem:s12+$0x1280];
	v3 =	vadd.f32 v7, v4;
	v1 =	vadd.f32 v2, v1  }
0x27: {  	v4 =	vld [tilespmem:s7+$0x280]  }
0x28: {  	s14 =	simm.s32 $0x100;
	v2 =	vadd.f32 v8, v3;
	v3 =	vld [tilespmem:s7+$0x300];
	v5 =	vadd.f32 v5, v1  }
0x29: {  	s15 =	simm.s32 $0x20;
	s13 =	sand.u32 $0xC00, s14;
	v1 =	vld [tilespmem:s12+$0x1300]  }
0x2a: {  	s17 =	sand.u32 $0x70, s15;
	s19 =	sadd.s32 s13, s8;
	p0 =	por p1, p1;
	v7 =	vadd.f32 v9, v2;
	v2 =	vld [tilespmem:s12+$0x1380];
	v5 =	vadd.f32 v6, v5  }
0x2b: {  	s9 =	simm.s32 $0x1;
	s31 =	sadd.s32 s16, s11;
	s16 =	simm.s32 $0x3;
	v6 =	vld [tilespmem:s7+$0x380]  }
0x2c: {  	s18 =	sadd.s32 s18, s31;
	s10 =	simm.s32 $0x2;
	s12 =	simm.s32 $0x0;
	v7 =	vadd.f32 v4, v7;
	v4 =	vld [tilespmem:s7+$0x1080];
	v5 =	vadd.f32 v10, v5  }
.LBB2_2:
0x2d: {  	p1 =	sne.s32 s16, $0x1F;
	s19 =	sadd.s32 s17, s19;
	v8 =	vld [tilespmem:s18+$0x0];
	v9 =	vor.u32 s12, v0;
	s18 =	smov.u32 s17  }
0x2e: {  	s12 =	smov.u32 s9;
	s9 =	smov.u32 s10;
	s10 =	smov.u32 s16;
	v10 =	vld [tilespmem:s19+$0x0];
	v3 =	vadd.f32 v3, v7;
	v1 =	vadd.f32 v1, v5  }
0x2f: {  	v5 =	vld [tilespmem:s19+$0x80]  }
0x30: {  	v3 =	vadd.f32 v6, v3;
	v6 =	vld [tilespmem:s7+$0x1100];
	v1 =	vadd.f32 v2, v1  }
0x31: {  	v2 =	vld [tilespmem:s19+$0x100]  }
0x32: {  	v3 =	vadd.f32 v8, v3;
	v7 =	vld [tilespmem:s7+$0x1180];
	[tilespmem:v9+s5+$0x0] =	vst.idx.msk $0xffff, v1  }
0x33: {  	v1 =	vld [tilespmem:s19+$0x180]  }
0x34: {  	v5 =	vadd.f32 v5, v10;
	v3 =	vadd.f32 v4, v3;
	v4 =	vld [tilespmem:s7+$0x1200]  }
0x35: {  	v8 =	vld [tilespmem:s19+$0x200]  }
0x36: {  	v2 =	vadd.f32 v2, v5;
	v3 =	vadd.f32 v6, v3;
	v5 =	vld [tilespmem:s7+$0x1280]  }
0x37: {  	v9 =	vld [tilespmem:s19+$0x280]  }
.Ltmp0:
0x38: {  	v2 =	vadd.f32 v1, v2;
	v6 =	vadd.f32 v7, v3;
	v1 =	vld [tilespmem:s7+$0x1300];
	(pc) =	sbr.rel @p1 .LBB2_2-.Ltmp0, $4  }
0x39: {  	v3 =	vld [tilespmem:s19+$0x300]  }
0x3a: {  	s14 =	sadd.s32 $0x80, s14;
	s15 =	sadd.s32 $0x10, s15;
	v7 =	vadd.f32 v8, v2;
	v8 =	vadd.f32 v4, v6;
	v2 =	vld [tilespmem:s7+$0x1380];
	s7 =	smov.u32 s19  }
0x3b: {  	s20 =	sadd.s32 s13, s11;
	s17 =	sand.u32 $0x70, s15;
	s13 =	sand.u32 $0xC00, s14;
	v6 =	vld [tilespmem:s7+$0x380]  }
0x3c: {  	s16 =	sadd.s32 $0x1, s16;
	s18 =	sadd.s32 s18, s20;
	s19 =	sadd.s32 s13, s8;
	v7 =	vadd.f32 v9, v7;
	v4 =	vld [tilespmem:s7+$0x1080];
	v5 =	vadd.f32 v5, v8  }
0x3d: {  	s8 =	sadd.s32 s17, s19  }
0x3e: {  	v8 =	vld [tilespmem:s8+$0x0]  }
0x3f: {  	v9 =	vld [tilespmem:s8+$0x80];
	_ =	sdelay $0x1  }
0x40: {  	v10 =	vld [tilespmem:s8+$0x100];
	_ =	sdelay $0x1  }
0x41: {  	v11 =	vld [tilespmem:s8+$0x180]  }
0x42: {  	v8 =	vadd.f32 v9, v8  }
0x43: {  	v32 =	vld [tilespmem:s8+$0x200]  }
0x44: {  	v8 =	vadd.f32 v10, v8  }
0x45: {  	v33 =	vld [tilespmem:s8+$0x280]  }
0x46: {  	v8 =	vadd.f32 v11, v8  }
0x47: {  	v34 =	vld [tilespmem:s8+$0x300]  }
0x48: {  	v8 =	vadd.f32 v32, v8  }
0x49: {  	s11 =	sadd.s32 s13, s11;
	v35 =	vld [tilespmem:s8+$0x380]  }
0x4a: {  	v36 =	vld [tilespmem:s18+$0x0];
	s11 =	sadd.s32 s17, s11;
	v8 =	vadd.f32 v33, v8  }
0x4b: {  	v3 =	vadd.f32 v3, v7;
	v37 =	vld [tilespmem:s11+$0x0]  }
0x4c: {  	v8 =	vadd.f32 v34, v8  }
0x4d: {  	v38 =	vld [tilespmem:s8+$0x1080];
	v3 =	vadd.f32 v6, v3  }
0x4e: {  	v39 =	vld [tilespmem:s7+$0x1100];
	v8 =	vadd.f32 v35, v8  }
0x4f: {  	v40 =	vld [tilespmem:s8+$0x1100];
	v3 =	vadd.f32 v36, v3  }
0x50: {  	v41 =	vld [tilespmem:s7+$0x1180];
	v7 =	vadd.f32 v37, v8  }
0x51: {  	v42 =	vld [tilespmem:s8+$0x1180];
	v3 =	vadd.f32 v4, v3  }
0x52: {  	v43 =	vld [tilespmem:s7+$0x1200];
	v6 =	vadd.f32 v38, v7  }
0x53: {  	v44 =	vld [tilespmem:s8+$0x1200];
	v3 =	vadd.f32 v39, v3  }
0x54: {  	v45 =	vld [tilespmem:s7+$0x1280];
	v6 =	vadd.f32 v40, v6  }
0x55: {  	v46 =	vld [tilespmem:s8+$0x1280];
	v3 =	vadd.f32 v41, v3  }
0x56: {  	v47 =	vld [tilespmem:s7+$0x1300];
	v4 =	vadd.f32 v42, v6  }
0x57: {  	v48 =	vld [tilespmem:s8+$0x1300];
	v3 =	vadd.f32 v43, v3  }
0x58: {  	v49 =	vld [tilespmem:s7+$0x1380];
	v4 =	vadd.f32 v44, v4  }
0x59: {  	v50 =	vor.u32 s12, v0;
	v51 =	vld [tilespmem:s8+$0x1380];
	v3 =	vadd.f32 v45, v3  }
0x5a: {  	v52 =	vor.u32 s9, v0;
	v1 =	vadd.f32 v1, v5;
	v4 =	vadd.f32 v46, v4  }
0x5b: {  	v53 =	vor.u32 s10, v0;
	v3 =	vadd.f32 v47, v3  }
0x5c: {  	v1 =	vadd.f32 v2, v1;
	v2 =	vadd.f32 v48, v4  }
0x5d: {  	v3 =	vadd.f32 v49, v3  }
0x5e: {  	[tilespmem:v50+s5+$0x0] =	vst.idx.msk $0xffff, v1;
	v1 =	vadd.f32 v51, v2  }
0x5f: {  	[tilespmem:v52+s5+$0x0] =	vst.idx.msk $0xffff, v3  }
0x60: {  	[tilespmem:v53+s5+$0x0] =	vst.idx.msk $0xffff, v1  }
0x61: {  	v1 =	vld [tilespmem:$0x4000]  }
0x62: {  	v2 =	vld [tilespmem:$0x4020];
	_ =	sdelay $0x1  }
0x63: {  	v3 =	vld [tilespmem:$0x4040];
	_ =	sdelay $0x1  }
0x64: {  	v54 =	vld [tilespmem:$0x4060]  }
0x65: {  	v1 =	vadd.f32 v2, v1  }
0x66: {  	v2 =	vld [tilespmem:$0x4080]  }
0x67: {  	v1 =	vadd.f32 v3, v1  }
0x68: {  	v3 =	vld [tilespmem:$0x40A0]  }
0x69: {  	v1 =	vadd.f32 v54, v1  }
0x6a: {  	v55 =	vld [tilespmem:$0x40C0]  }
0x6b: {  	v1 =	vadd.f32 v2, v1  }
0x6c: {  	v2 =	vld [tilespmem:$0x40E0]  }
0x6d: {  	v1 =	vadd.f32 v3, v1  }
0x6e: {  	v3 =	vld [tilespmem:$0x4100]  }
0x6f: {  	v1 =	vadd.f32 v55, v1  }
0x70: {  	v56 =	vld [tilespmem:$0x4120]  }
0x71: {  	v1 =	vadd.f32 v2, v1  }
0x72: {  	v2 =	vld [tilespmem:$0x4140]  }
0x73: {  	v1 =	vadd.f32 v3, v1  }
0x74: {  	v3 =	vld [tilespmem:$0x4160]  }
0x75: {  	v1 =	vadd.f32 v56, v1  }
0x76: {  	v57 =	vld [tilespmem:$0x4180]  }
0x77: {  	v1 =	vadd.f32 v2, v1  }
0x78: {  	v2 =	vld [tilespmem:$0x41A0]  }
0x79: {  	v1 =	vadd.f32 v3, v1  }
0x7a: {  	v3 =	vld [tilespmem:$0x41C0]  }
0x7b: {  	v1 =	vadd.f32 v57, v1  }
0x7c: {  	v58 =	vld [tilespmem:$0x41E0]  }
0x7d: {  	v1 =	vadd.f32 v2, v1;
	_ =	sdelay $0x1  }
0x7e: {  	v1 =	vadd.f32 v3, v1;
	_ =	sdelay $0x1  }
0x7f: {  	s6 =	sshll.u32 s6, $0x5;
	v1 =	vadd.f32 v58, v1  }
0x80: {  	s6 =	sand.u32 $0x3FFFFFE0, s6  }
0x81: {  	[tilespmem:s6+$0x4200] =	vst v1  }
0x82: {  	v1 =	vld [tilespmem:$0x4010]  }
0x83: {  	v2 =	vld [tilespmem:$0x4030];
	_ =	sdelay $0x1  }
0x84: {  	v3 =	vld [tilespmem:$0x4050];
	_ =	sdelay $0x1  }
0x85: {  	v59 =	vld [tilespmem:$0x4070]  }
0x86: {  	v1 =	vadd.f32 v2, v1  }
0x87: {  	v2 =	vld [tilespmem:$0x4090]  }
0x88: {  	v1 =	vadd.f32 v3, v1  }
0x89: {  	v3 =	vld [tilespmem:$0x40B0]  }
0x8a: {  	v1 =	vadd.f32 v59, v1  }
0x8b: {  	v60 =	vld [tilespmem:$0x40D0]  }
0x8c: {  	v1 =	vadd.f32 v2, v1  }
0x8d: {  	v2 =	vld [tilespmem:$0x40F0]  }
0x8e: {  	v1 =	vadd.f32 v3, v1  }
0x8f: {  	v3 =	vld [tilespmem:$0x4110]  }
0x90: {  	v1 =	vadd.f32 v60, v1  }
0x91: {  	v61 =	vld [tilespmem:$0x4130]  }
0x92: {  	v1 =	vadd.f32 v2, v1  }
0x93: {  	v2 =	vld [tilespmem:$0x4150]  }
0x94: {  	v1 =	vadd.f32 v3, v1  }
0x95: {  	v3 =	vld [tilespmem:$0x4170]  }
0x96: {  	v1 =	vadd.f32 v61, v1  }
0x97: {  	v62 =	vld [tilespmem:$0x4190]  }
0x98: {  	v1 =	vadd.f32 v2, v1  }
0x99: {  	v2 =	vld [tilespmem:$0x41B0]  }
0x9a: {  	v1 =	vadd.f32 v3, v1  }
0x9b: {  	v3 =	vld [tilespmem:$0x41D0]  }
0x9c: {  	v1 =	vadd.f32 v62, v1  }
0x9d: {  	v63 =	vld [tilespmem:$0x41F0]  }
0x9e: {  	v1 =	vadd.f32 v2, v1;
	_ =	sdelay $0x1  }
.Ltmp1:
0x9f: {  	v1 =	vadd.f32 v3, v1;
	(pc) =	sbr.rel @p0 .LBB2_1-.Ltmp1, $3  }
0xa0: {  	_ = 	snop  }
0xa1: {  	v1 =	vadd.f32 v63, v1;
	_ =	sdelay $0x1  }
0xa2: {  	p1 =	por $0x0, $0x0;
	[tilespmem:s6+$0x4210] =	vst v1;
	s6 =	simm.s32 $0x1  }
0xa3: {  	s4 =	sshll.u32 s3, $0x6  }
0xa4: {  	s5 =	simm.s32 $0x4200;
	s4 =	sadd.s32 s4, s2  }
0xa5: {  	[spmem:s4] =	stream.linear.scatter [tilespmem:s5], [sflag:$0x4], $0x40, $0x38;
	[tilespmem:$0x4B40] =	vst v63  }
0xa6: {  	s4 =	simm.s32 $0x4  }
0xa7: {  	_ =	swait.ge [sflag:s4], $0x40  }
0xa8: {  	[sflag:s4] =	ssyncset.done $0x0  }
0xa9: {  	[sflag:s4] =	ssyncadd.s32 $0xFFFFFFC0  }
0xaa: {  	p0 =	sne.s32 s3, $0x0;
	[bflag:$0x0] =	sbarrier.arrive $0xFFFF  }
0xab: {  	_ =	sfence.sel @p0 $0x180000  }
0xac: {  	[bflag:$0x0] =	sbarrier.arrive @p0 $0xFFFF  }
0xad: {  	_ =	strace @p0 $0x90000047  }
0xae: {  	[bflag:$0x2] =	sbarrier.arrive @p0 $0xFFFF  }
0xaf: {  	_ =	shalt @p0  }
.LBB2_5:
0xb0: {  	s3 =	simm.s32 $0x42C0;
	v0 =	vimm.s32 $0x0  }
0xb1: {  	[tilespmem:s3], [sflag:$0x4] =	stream.linear.gather [spmem:s2], $0x400, $0x38;
	[tilespmem:$0x4B40] =	vst v63  }
0xb2: {  	_ =	swait.ge [sflag:s4], $0x400  }
0xb3: {  	[sflag:s4] =	ssyncset.done $0x0  }
0xb4: {  	s2 =	simm.s32 $0x46C0;
	[sflag:s4] =	ssyncadd.s32 $0xFFFFFC00  }
0xb5: {  	s3 =	simm.s32 $0x42E0;
	[tilespmem:v0+s2+$0x0] =	vst.idx.msk $0x1, v0  }
0xb6: {  	v1 =	vld [tilespmem:s3+$0xFFFFFFE0]  }
0xb7: {  	v2 =	vld [tilespmem:s3+$0xFFFFFFF0]  }
0xb8: {  	v3 =	vld [tilespmem:s3+$0x0];
	_ =	sdelay $0x2  }
0xb9: {  	vm3 =	vgt.f32 v1, $0.0e+00  }
0xba: {  	vm2 =	vgt.f32 v2, $0.0e+00;
	v1 =	vsel vm3, $0x1, v0  }
0xbb: {  	v2 =	vld [tilespmem:s3+$0x10];
	vm1 =	vgt.f32 v3, $0.0e+00;
	v4 =	vsel vm2, $0x1, v0;
	(xrf0) =	vadd.scan.msk.s32 $0xffff, v1  }
0xbc: {  	v1 =	vsel vm1, $0x1, v0;
	(xrf0) =	vadd.scan.msk.s32 $0xffff, v4  }
0xbd: {  	(xrf0) =	vadd.scan.msk.s32 $0xffff, v1  }
0xbe: {  	v1 =	vmpcnt.ones.xlane vm3;
	_ =	sdelay $0x1  }
0xbf: {  	vm0 =	vgt.f32 v2, $0.0e+00;
	v1 =	vadd.s32 v0, v1  }
0xc0: {  	v2 =	vmpcnt.ones.xlane vm2;
	v3 =	vsel vm0, $0x1, v0;
	v4, _, _ =	vpop (xrf0)  }
0xc1: {  	(xrf0) =	vadd.scan.msk.s32 $0xffff, v3;
	v3 =	vadd.s32 v0, v4;
	v4, _, _ =	vpop (xrf0)  }
0xc2: {  	v5 =	vlaneseq.u32;
	v2 =	vadd.s32 v1, v2;
	v4 =	vadd.s32 v1, v4;
	v1, _, _ =	vpop (xrf0)  }
0xc3: {  	v6 =	vadd.s32 v2, v1;
	v1 =	vadd.s32 $0x1, v5;
	v5 =	vmpcnt.ones.xlane vm1;
	_ =	sdelay $0x1  }
0xc4: {  	s29 =	simm.s32 $0x0  }
0xc5: {  	s5 =	simm.s32 $0x10;
	v7 =	vor.u32 s29, v1  }
0xc6: {  	v2 =	vadd.s32 v2, v5;
	[tilespmem:v3+s2+$0x0] =	vst.idx.msk vm3, v7;
	v3 =	vadd.s32 s5, v1;
	v5, _, _ =	vpop (xrf0)  }
0xc7: {  	[tilespmem:v4+s2+$0x0] =	vst.idx.msk vm2, v3;
	v3 =	vadd.s32 v2, v5  }
0xc8: {  	s30 =	simm.s32 $0x20;
	v7 =	vmpcnt.ones.xlane vm0  }
0xc9: {  	s31 =	simm.s32 $0x30;
	v4 =	vor.u32 s30, v1  }
0xca: {  	s4 =	simm.s32 $0x40;
	v2 =	vadd.s32 v2, v7;
	[tilespmem:v6+s2+$0x0] =	vst.idx.msk vm1, v4;
	v4 =	vadd.s32 s31, v1  }
.LBB2_6:
0xcb: {  	p0 =	sne.s32 s4, $0x3C0  }
0xcc: {  	[tilespmem:v3+s2+$0x0] =	vst.idx.msk vm0, v4;
	s3 =	sadd.s32 $0x40, s3;
	s5 =	smov.u32 s4;
	s4 =	sadd.s32 $0x40, s4  }
0xcd: {  	v3 =	vld [tilespmem:s3+$0xFFFFFFE0]  }
0xce: {  	v4 =	vld [tilespmem:s3+$0xFFFFFFF0]  }
0xcf: {  	v5 =	vld [tilespmem:s3+$0x0]  }
0xd0: {  	v6 =	vld [tilespmem:s3+$0x10];
	_ =	sdelay $0x1  }
0xd1: {  	vm1 =	vgt.f32 v3, $0.0e+00  }
0xd2: {  	v3 =	vsel vm1, $0x1, v0;
	v7 =	vmpcnt.ones.xlane vm1;
	vm2 =	vgt.f32 v4, $0.0e+00  }
0xd3: {  	v4 =	vsel vm2, $0x1, v0;
	v8 =	vmpcnt.ones.xlane vm2;
	vm3 =	vgt.f32 v5, $0.0e+00;
	(xrf0) =	vadd.scan.msk.s32 $0xffff, v3  }
0xd4: {  	v3 =	vsel vm3, $0x1, v0;
	v5 =	vmpcnt.ones.xlane vm3;
	vm0 =	vgt.f32 v6, $0.0e+00;
	(xrf0) =	vadd.scan.msk.s32 $0xffff, v4  }
0xd5: {  	v4 =	vsel vm0, $0x1, v0;
	(xrf0) =	vadd.scan.msk.s32 $0xffff, v3  }
0xd6: {  	(xrf0) =	vadd.scan.msk.s32 $0xffff, v4;
	_ =	sdelay $0x2  }
0xd7: {  	v3, _, _ =	vpop (xrf0)  }
0xd8: {  	v4 =	vadd.s32 v2, v3;
	v2 =	vadd.s32 v2, v7;
	v3, _, _ =	vpop (xrf0)  }
0xd9: {  	v6 =	vmpcnt.ones.xlane vm0;
	v7 =	vadd.s32 v2, v3;
	v2 =	vadd.s32 v2, v8;
	v3, _, _ =	vpop (xrf0)  }
0xda: {  	v8 =	vadd.s32 v2, v3;
	v2 =	vadd.s32 v2, v5;
	v3, _, _ =	vpop (xrf0)  }
.Ltmp2:
0xdb: {  	v3 =	vadd.s32 v2, v3;
	v2 =	vadd.s32 v2, v6;
	(pc) =	sbr.rel @p0 .LBB2_6-.Ltmp2, $4  }
0xdc: {  	s6 =	sadd.s32 $0x10, s5;
	v5 =	vor.u32 s5, v1  }
0xdd: {  	s7 =	sadd.s32 $0x20, s5;
	[tilespmem:v4+s2+$0x0] =	vst.idx.msk vm1, v5;
	v4 =	vadd.s32 s6, v1  }
0xde: {  	s5 =	sadd.s32 $0x30, s5;
	[tilespmem:v7+s2+$0x0] =	vst.idx.msk vm2, v4;
	v4 =	vor.u32 s7, v1  }
0xdf: {  	[tilespmem:v8+s2+$0x0] =	vst.idx.msk vm3, v4;
	v4 =	vadd.s32 s5, v1  }
0xe0: {  	(v2sf) =	vpush v2, $0x0;
	_ =	sdelay $0xd  }
0xe1: {  	v0 =	vlaneseq.u32  }
0xe2: {  	v0 =	vadd.s32 $0x1, v0;
	s3 =	spop (v2sf)  }
0xe3: {  	v1 =	vadd.s32 v0, v2;
	p0 =	sgt.s32 s3, $0x40F  }
.Ltmp3:
0xe4: {  	_ = 	snop;
	(pc) =	sbr.rel @p0 .LBB2_10-.Ltmp3, $3  }
0xe5: {  	_ =	sdelay $0x1  }
0xe6: {  	[tilespmem:v3+s2+$0x0] =	vst.idx.msk vm0, v4;
	s2 =	simm.s32 $0x46C0;
	v0 =	vimm.s32 $0x1  }
0xe7: {  	[tilespmem:v1+s2+$0x0] =	vst.idx.msk $0xffff, v0  }
0xe8: {  	s4 =	sshra.s32 s3, $0x1F  }
0xe9: {  	s4 =	sshrl.u32 s4, $0x1C  }
0xea: {  	s29 =	sadd.s32 s4, s3  }
0xeb: {  	s3 =	sshra.s32 s29, $0x4  }
0xec: {  	s5 =	ssub.s32 $0x41, s3  }
0xed: {  	p0 =	sne.s32 s5, $0x1  }
.Ltmp4:
0xee: {  	s30 =	sshll.u32 s3, $0x6;
	(pc) =	sbr.rel @!p0 .LBB2_10-.Ltmp4, $4  }
0xef: {  	s4 =	sadd.s32 $0x40, s30  }
0xf0: {  	s31 =	sshra.s32 s4, $0x2  }
0xf1: {  	s3 =	sadd.s32 $0x46C0, s31  }
0xf2: {  	s4 =	sadd.s32 $0xFFFFFFFF, s5;
	[tilespmem:s3+$0x0] =	vst v0  }
.LBB2_9:
0xf3: {  	p0 =	sne.s32 s4, $0x1  }
.Ltmp5:
0xf4: {  	_ = 	snop;
	(pc) =	sbr.rel @p0 .LBB2_9-.Ltmp5, $3  }
0xf5: {  	_ =	sdelay $0x1  }
0xf6: {  	s4 =	sadd.s32 $0xFFFFFFFF, s4;
	s3 =	sadd.s32 $0x10, s3  }
0xf7: {  	[tilespmem:s3+$0x0] =	vst v0  }
.LBB2_10:
0xf8: {  	s3 =	simm.s32 $0x0;
	s31 =	simm.s32 $0x3  }
0xf9: {  	[hbm4b:s1+s3] =	stream.linear.scatter [tilespmem:s2], [sflag:$0x3], $0x401, $0x38;
	[tilespmem:$0x4B40] =	vst v63  }
0xfa: {  	_ =	swait.ge [sflag:s31], $0x401  }
0xfb: {  	[sflag:s31] =	ssyncset.done $0x0  }
0xfc: {  	[sflag:s31] =	ssyncadd.s32 $0xFFFFFBFF  }
0xfd: {  	_ =	sfence.sel $0x180000  }
0xfe: {  	[bflag:$0x0] =	sbarrier.arrive $0xFFFF  }
0xff: {  	_ =	strace $0x90000047  }
0x100: {  	s0 =	sadd.s32 $0x100000, s0;
	[bflag:$0x2] =	sbarrier.arrive $0xFFFF  }
0x101: {  	[sflag:s0] =	ssyncadd.tile.s32 $0x1;
	_ =	shalt  }
.Lfunc_end2:
_tile_overlayer_lowered:
.L_overlay_start_2:
0x102: {  	(tag) =	ssettag $0x2  }
0x103: {  	s0 =	rddreg [dreg:$0x0];
	s2 =	stileid.u32  }
0x104: {  	s1 =	rddreg [dreg:$0x1];
	p0 =	sne.s32 s2, $0x0  }
0x105: {  	s3 =	rddreg [dreg:$0x2];
	[bflag:$0x3] =	sbarrier.arrive $0xFFFF;
	s2 =	simm.s32 @!p0 $0x1C04  }
0x106: {  	[timem:s3], [sflag:s2] =	dma.local @!p0 [hbm:s0], s1  }
0x107: {  	s0 =	simm.s32 @!p0 $0x4  }
0x108: {  	_ =	swait.ge @!p0 [sflag:s0], s1  }
0x109: {  	s1 =	ssub.s32 @!p0 $0x0, s1;
	[sflag:s0] =	ssyncset.done @!p0 $0x0  }
0x10a: {  	[sflag:s0] =	ssyncadd.s32 @!p0 s1  }
0x10b: {  	[bflag:$0x3] =	sbarrier.arrive $0xFFFF  }
0x10c: {  	_ =	shalt  }

</sc_bundles>
